<compile_context>
chip_gen: v7x
topology: tpu7x:2x2x1
jax: 0.10.2.dev20260603
libtpu: 0.0.44.dev20260713+nightly
codegen_flags: <defaults>
</compile_context>

<pallas_src>
import functools

import numpy as np

import jax
import jax.numpy as jnp
from jax import lax
from jax.experimental import pallas as pl
from jax.experimental.pallas import tpu as pltpu
from jax.experimental.pallas import tpu_sc as plsc

_SAMPLE_RATE = 44100
_BASE_DELAY_MS = 5.0
_DELAY_RANGE_MS = 4.0
_RATE = 0.5
_DEPTH = 0.7
_FEEDBACK = 0.3
_MIX = 0.5
_CHAIN_HOPS = 7


def _next_pow2(n):
    p = 1
    while p < n:
        p *= 2
    return p


@functools.lru_cache(maxsize=None)
def _gather_tables(T):
    max_delay = int((_BASE_DELAY_MS + _DELAY_RANGE_MS) * _SAMPLE_RATE / 1000) + 10
    buffer_size = _next_pow2(max_delay)
    base = int(_BASE_DELAY_MS * _SAMPLE_RATE / 1000)
    rng = int(_DELAY_RANGE_MS * _SAMPLE_RATE / 1000 * _DEPTH)
    t = np.arange(T)
    phase = (t * _RATE / _SAMPLE_RATE) % 1.0
    mod = np.sin(2 * np.pi * phase)
    d = base + (mod * rng).astype(np.int64)
    d = np.clip(d, 1, buffer_size - 1)

    nslot = _CHAIN_HOPS + 1
    g = np.zeros((nslot, T), np.int32)
    w = np.zeros((nslot, T), np.float32)
    g[0] = t
    w[0] = 1.0 - _MIX
    cur = t - d
    for k in range(_CHAIN_HOPS):
        valid = cur >= 0
        g[1 + k] = np.where(valid, cur, 0)
        w[1 + k] = np.where(valid, _MIX * (_FEEDBACK**k), 0.0)
        cur = np.where(valid, cur - d[np.clip(cur, 0, T - 1)], -1)
    return g, w.astype(np.float32)


def kernel(x):
    B, T = x.shape
    g_np, w_np = _gather_tables(T)
    nslot = g_np.shape[0]

    info = plsc.get_sparse_core_info()
    nw = info.num_cores * info.num_subcores
    lanes = info.num_lanes
    tpw = T // nw
    rowlen = nslot * tpw

    g_rows = np.ascontiguousarray(
        g_np.reshape(nslot, nw, tpw).transpose(1, 0, 2).reshape(nw, rowlen))
    w_rows = np.ascontiguousarray(
        w_np.reshape(nslot, nw, tpw).transpose(1, 0, 2).reshape(nw, rowlen))
    mesh = plsc.VectorSubcoreMesh(core_axis_name="c", subcore_axis_name="s")

    tab_rows = np.concatenate([g_rows, w_rows.view(np.int32)], axis=1)
    tab = jnp.asarray(np.ascontiguousarray(tab_rows).reshape(-1))
    tlen = 2 * rowlen

    @functools.partial(
        pl.kernel,
        mesh=mesh,
        out_type=jax.ShapeDtypeStruct((B, T), jnp.float32),
        scratch_types=[
            pltpu.VMEM((B * T,), jnp.float32),
            pltpu.VMEM((tlen,), jnp.int32),
            pltpu.VMEM((B, tpw), jnp.float32),
            pltpu.SemaphoreType.DMA,
            pltpu.SemaphoreType.DMA,
            pltpu.SemaphoreType.DMA,
        ],
        compiler_params=pltpu.CompilerParams(
            use_tc_tiling_on_sc=False, needs_layout_passes=False,
            disable_bounds_checks=True, disable_semaphore_checks=True),
    )
    def flanger(x_hbm, tab_hbm, out_hbm, xv, tv, ov, semt, semx, semo):
        wid = lax.axis_index("s") * info.num_cores + lax.axis_index("c")
        base = wid * tpw
        half = B // 2
        in_tab = pltpu.async_copy(tab_hbm.at[pl.ds(wid * tlen, tlen)], tv, semt)
        in_lo = pltpu.async_copy(x_hbm.at[pl.ds(0, half * T)],
                                 xv.at[pl.ds(0, half * T)], semx)
        in_hi = pltpu.async_copy(x_hbm.at[pl.ds(half * T, half * T)],
                                 xv.at[pl.ds(half * T, half * T)], semx)

        def make_body(b0):
            def body(i, carry):
                off = i * lanes
                idxs = [tv[pl.ds(s * tpw + off, lanes)] for s in range(nslot)]
                wgts = [plsc.bitcast(tv[pl.ds(rowlen + s * tpw + off, lanes)],
                                     jnp.float32) for s in range(nslot)]
                for b in range(b0, b0 + half):
                    boff = jnp.full((lanes,), b * T, jnp.int32)
                    acc = jnp.zeros((lanes,), jnp.float32)
                    for s in range(nslot):
                        acc = acc + plsc.load_gather(xv, [idxs[s] + boff]) * wgts[s]
                    ov[b, pl.ds(off, lanes)] = acc
                return carry
            return body

        in_tab.wait()
        in_lo.wait()
        lax.fori_loop(0, tpw // lanes, make_body(0), 0)
        out_lo = pltpu.async_copy(
            ov.at[pl.ds(0, half), :],
            out_hbm.at[pl.ds(0, half), pl.ds(base, tpw)], semo)
        in_hi.wait()
        lax.fori_loop(0, tpw // lanes, make_body(half), 0)
        out_hi = pltpu.async_copy(
            ov.at[pl.ds(half, half), :],
            out_hbm.at[pl.ds(half, half), pl.ds(base, tpw)], semo)
        out_lo.wait()
        out_hi.wait()

    return flanger(x.reshape(-1), tab)

# --- scband reference (transcript-rebuilt; emitter-appended) ---
"""Pipeline reference for scband-flanger-73160472920642 (READ-ONLY COPY).

The authoritative reference and input builder live on the scoring server;
editing this copy changes nothing except your own understanding.
"""

import jax, jax.numpy as jnp
import numpy as np

SAMPLE_RATE = 44100
BASE_DELAY_MS = 5.0
DELAY_RANGE_MS = 4.0

def _next_power_of_2(n):
    if n <= 0:
        return 1
    n -= 1
    n |= n >> 1
    n |= n >> 2
    n |= n >> 4
    n |= n >> 8
    n |= n >> 16
    return n + 1

_MAX_DELAY = int((BASE_DELAY_MS + DELAY_RANGE_MS) * SAMPLE_RATE / 1000) + 10
BUFFER_SIZE = _next_power_of_2(_MAX_DELAY)
MASK = BUFFER_SIZE - 1

def _precompute_indices(T, rate, depth):
    base_delay_samples = int(BASE_DELAY_MS * SAMPLE_RATE / 1000)
    range_samples = int(DELAY_RANGE_MS * SAMPLE_RATE / 1000 * depth)
    t = np.arange(T)
    phase = (t * rate / SAMPLE_RATE) % 1.0
    mod = np.sin(2 * np.pi * phase)
    delay = base_delay_samples + (mod * range_samples).astype(np.int64)
    delay = np.clip(delay, 1, BUFFER_SIZE - 1)
    write_idx = t & MASK
    read_idx = (write_idx - delay) & MASK
    return read_idx.astype(np.int32), write_idx.astype(np.int32)

def setup_inputs(seed: int = 0) -> dict:
    key = jax.random.key(seed)
    x = jax.random.normal(key, (8, 4096), dtype=jnp.float32)
    return {"x": x}

def reference(x):
    # defaults from the torch forward signature
    rate, depth, feedback, mix = 0.5, 0.7, 0.3, 0.5
    feedback = min(feedback, 0.9)
    B, T = x.shape
    read_idx_np, write_idx_np = _precompute_indices(T, rate, depth)
    read_idx = jnp.asarray(read_idx_np)
    write_idx = jnp.asarray(write_idx_np)
    buffer0 = jnp.zeros((B, BUFFER_SIZE), dtype=x.dtype)

    def step(buf, inp):
        xt, ri, wi = inp
        delayed = buf[:, ri]
        out_t = xt * (1.0 - mix) + delayed * mix
        buf = buf.at[:, wi].set(xt + delayed * feedback)
        return buf, out_t

    _, outs = jax.lax.scan(step, buffer0, (x.T, read_idx, write_idx))
    return outs.T

if __name__ == "__main__":
    import jax
    _d = setup_inputs()
    print(jax.jit(kernel)(*tuple(_d.values())))

</pallas_src>

<mosaic_0001>
#map = affine_map<(d0, d1) -> (0)>
#map1 = affine_map<(d0, d1) -> (0, 0)>
module attributes {stable_mosaic.version = 14 : i64} {
  func.func @flanger(%arg0: i32, %arg1: i32, %arg2: memref<32768xf32, #tpu.memory_space<hbm>>, %arg3: memref<65536xi32, #tpu.memory_space<hbm>>, %arg4: memref<8x4096xf32, #tpu.memory_space<hbm>>, %arg5: memref<32768xf32, #tpu.memory_space<vmem>>, %arg6: memref<2048xi32, #tpu.memory_space<vmem>>, %arg7: memref<8x128xf32, #tpu.memory_space<vmem>>, %arg8: memref<!tpu.dma_semaphore, #tpu.memory_space<semaphore_mem>>, %arg9: memref<!tpu.dma_semaphore, #tpu.memory_space<semaphore_mem>>, %arg10: memref<!tpu.dma_semaphore, #tpu.memory_space<semaphore_mem>>) attributes {dimension_semantics = [#tpu.dimension_semantics<core_parallel>, #tpu.dimension_semantics<subcore_parallel>], iteration_bounds = array<i64: 2, 16>, scalar_prefetch = 0 : i64, scratch_operands = 6 : i64, tpu.core_type = #tpu.core_type<sc_vector_subcore>, window_params = [{transform_indices = #map}, {transform_indices = #map}, {transform_indices = #map1}]} {
    %mul3A = arith.constant 2 : i32
    %mul3A_0 = arith.muli %arg1, %mul3A : i32
    %add3A = arith.addi %mul3A_0, %arg0 : i32
    %mul3A_1 = arith.constant 128 : i32
    %mul3A_2 = arith.muli %add3A, %mul3A_1 : i32
    %mul3A_3 = arith.constant 2048 : i32
    %mul3A_4 = arith.muli %add3A, %mul3A_3 : i32
    %dma_start3A = tpu.memref_slice %arg3[%mul3A_4] : memref<65536xi32, #tpu.memory_space<hbm>> -> memref<2048xi32, #tpu.memory_space<hbm>>
    %dma_start3A_5 = tpu.memref_slice %arg3[%mul3A_4] : memref<65536xi32, #tpu.memory_space<hbm>> -> memref<2048xi32, #tpu.memory_space<hbm>>
    tpu.enqueue_dma source(%dma_start3A_5 : memref<2048xi32, #tpu.memory_space<hbm>>) target(%arg6 : memref<2048xi32, #tpu.memory_space<vmem>>) target_semaphore(%arg8 : memref<!tpu.dma_semaphore, #tpu.memory_space<semaphore_mem>>)
    %dma_start3A_6 = arith.constant 0 : i32
    %dma_start3A_7 = tpu.memref_slice %arg5[%dma_start3A_6] : memref<32768xf32, #tpu.memory_space<vmem>> -> memref<16384xf32, #tpu.memory_space<vmem>>
    %dma_start3A_8 = arith.constant 0 : i32
    %dma_start3A_9 = tpu.memref_slice %arg2[%dma_start3A_8] : memref<32768xf32, #tpu.memory_space<hbm>> -> memref<16384xf32, #tpu.memory_space<hbm>>
    %dma_start3A_10 = arith.constant 0 : i32
    %dma_start3A_11 = tpu.memref_slice %arg5[%dma_start3A_10] : memref<32768xf32, #tpu.memory_space<vmem>> -> memref<16384xf32, #tpu.memory_space<vmem>>
    %dma_start3A_12 = arith.constant 0 : i32
    %dma_start3A_13 = tpu.memref_slice %arg2[%dma_start3A_12] : memref<32768xf32, #tpu.memory_space<hbm>> -> memref<16384xf32, #tpu.memory_space<hbm>>
    tpu.enqueue_dma source(%dma_start3A_13 : memref<16384xf32, #tpu.memory_space<hbm>>) target(%dma_start3A_11 : memref<16384xf32, #tpu.memory_space<vmem>>) target_semaphore(%arg9 : memref<!tpu.dma_semaphore, #tpu.memory_space<semaphore_mem>>)
    %dma_start3A_14 = arith.constant 16384 : i32
    %dma_start3A_15 = tpu.memref_slice %arg5[%dma_start3A_14] : memref<32768xf32, #tpu.memory_space<vmem>> -> memref<16384xf32, #tpu.memory_space<vmem>>
    %dma_start3A_16 = arith.constant 16384 : i32
    %dma_start3A_17 = tpu.memref_slice %arg2[%dma_start3A_16] : memref<32768xf32, #tpu.memory_space<hbm>> -> memref<16384xf32, #tpu.memory_space<hbm>>
    %dma_start3A_18 = arith.constant 16384 : i32
    %dma_start3A_19 = tpu.memref_slice %arg5[%dma_start3A_18] : memref<32768xf32, #tpu.memory_space<vmem>> -> memref<16384xf32, #tpu.memory_space<vmem>>
    %dma_start3A_20 = arith.constant 16384 : i32
    %dma_start3A_21 = tpu.memref_slice %arg2[%dma_start3A_20] : memref<32768xf32, #tpu.memory_space<hbm>> -> memref<16384xf32, #tpu.memory_space<hbm>>
    tpu.enqueue_dma source(%dma_start3A_21 : memref<16384xf32, #tpu.memory_space<hbm>>) target(%dma_start3A_19 : memref<16384xf32, #tpu.memory_space<vmem>>) target_semaphore(%arg9 : memref<!tpu.dma_semaphore, #tpu.memory_space<semaphore_mem>>)
    %dma_wait3A = tpu.memref_slice %arg3[%mul3A_4] : memref<65536xi32, #tpu.memory_space<hbm>> -> memref<2048xi32, #tpu.memory_space<hbm>>
    %dma_wait3A_22 = tpu.memref_slice %arg3[%mul3A_4] : memref<65536xi32, #tpu.memory_space<hbm>> -> memref<2048xi32, #tpu.memory_space<hbm>>
    tpu.wait_dma2 semaphore(%arg8 : memref<!tpu.dma_semaphore, #tpu.memory_space<semaphore_mem>>) src(%dma_wait3A_22 : memref<2048xi32, #tpu.memory_space<hbm>>) dst(%arg6 : memref<2048xi32, #tpu.memory_space<vmem>>)
    %dma_wait3A_23 = arith.constant 0 : i32
    %dma_wait3A_24 = tpu.memref_slice %arg5[%dma_wait3A_23] : memref<32768xf32, #tpu.memory_space<vmem>> -> memref<16384xf32, #tpu.memory_space<vmem>>
    %dma_wait3A_25 = arith.constant 0 : i32
    %dma_wait3A_26 = tpu.memref_slice %arg2[%dma_wait3A_25] : memref<32768xf32, #tpu.memory_space<hbm>> -> memref<16384xf32, #tpu.memory_space<hbm>>
    %dma_wait3A_27 = arith.constant 0 : i32
    %dma_wait3A_28 = tpu.memref_slice %arg5[%dma_wait3A_27] : memref<32768xf32, #tpu.memory_space<vmem>> -> memref<16384xf32, #tpu.memory_space<vmem>>
    %dma_wait3A_29 = arith.constant 0 : i32
    %dma_wait3A_30 = tpu.memref_slice %arg2[%dma_wait3A_29] : memref<32768xf32, #tpu.memory_space<hbm>> -> memref<16384xf32, #tpu.memory_space<hbm>>
    tpu.wait_dma2 semaphore(%arg9 : memref<!tpu.dma_semaphore, #tpu.memory_space<semaphore_mem>>) src(%dma_wait3A_30 : memref<16384xf32, #tpu.memory_space<hbm>>) dst(%dma_wait3A_28 : memref<16384xf32, #tpu.memory_space<vmem>>)
    %scan3A = arith.constant 0 : i32
    %scan3A_31 = arith.constant 0 : i32
    %scan3A_32 = arith.constant 8 : i32
    %scan3A_33 = arith.addi %scan3A_31, %scan3A_32 : i32
    %scan3A_34 = arith.constant 1 : i32
    scf.for %scan3A_90 = %scan3A_31 to %scan3A_33 step %scan3A_34  : i32 {
      %mul3A_91 = arith.constant 16 : i32
      %mul3A_92 = arith.muli %scan3A_90, %mul3A_91 : i32
      %add3A_93 = arith.constant 0 : i32
      %add3A_94 = arith.addi %add3A_93, %mul3A_92 : i32
      %get3A = arith.index_cast %add3A_94 : i32 to index
      %get3A_95 = tpu.vector_load %arg6[%get3A] {strides = array<i32>} : memref<2048xi32, #tpu.memory_space<vmem>>, vector<16xi32>,
      %add3A_96 = arith.constant 128 : i32
      %add3A_97 = arith.addi %add3A_96, %mul3A_92 : i32
      %get3A_98 = arith.index_cast %add3A_97 : i32 to index
      %get3A_99 = tpu.vector_load %arg6[%get3A_98] {strides = array<i32>} : memref<2048xi32, #tpu.memory_space<vmem>>, vector<16xi32>,
      %add3A_100 = arith.constant 256 : i32
      %add3A_101 = arith.addi %add3A_100, %mul3A_92 : i32
      %get3A_102 = arith.index_cast %add3A_101 : i32 to index
      %get3A_103 = tpu.vector_load %arg6[%get3A_102] {strides = array<i32>} : memref<2048xi32, #tpu.memory_space<vmem>>, vector<16xi32>,
      %add3A_104 = arith.constant 384 : i32
      %add3A_105 = arith.addi %add3A_104, %mul3A_92 : i32
      %get3A_106 = arith.index_cast %add3A_105 : i32 to index
      %get3A_107 = tpu.vector_load %arg6[%get3A_106] {strides = array<i32>} : memref<2048xi32, #tpu.memory_space<vmem>>, vector<16xi32>,
      %add3A_108 = arith.constant 512 : i32
      %add3A_109 = arith.addi %add3A_108, %mul3A_92 : i32
      %get3A_110 = arith.index_cast %add3A_109 : i32 to index
      %get3A_111 = tpu.vector_load %arg6[%get3A_110] {strides = array<i32>} : memref<2048xi32, #tpu.memory_space<vmem>>, vector<16xi32>,
      %add3A_112 = arith.constant 640 : i32
      %add3A_113 = arith.addi %add3A_112, %mul3A_92 : i32
      %get3A_114 = arith.index_cast %add3A_113 : i32 to index
      %get3A_115 = tpu.vector_load %arg6[%get3A_114] {strides = array<i32>} : memref<2048xi32, #tpu.memory_space<vmem>>, vector<16xi32>,
      %add3A_116 = arith.constant 768 : i32
      %add3A_117 = arith.addi %add3A_116, %mul3A_92 : i32
      %get3A_118 = arith.index_cast %add3A_117 : i32 to index
      %get3A_119 = tpu.vector_load %arg6[%get3A_118] {strides = array<i32>} : memref<2048xi32, #tpu.memory_space<vmem>>, vector<16xi32>,
      %add3A_120 = arith.constant 896 : i32
      %add3A_121 = arith.addi %add3A_120, %mul3A_92 : i32
      %get3A_122 = arith.index_cast %add3A_121 : i32 to index
      %get3A_123 = tpu.vector_load %arg6[%get3A_122] {strides = array<i32>} : memref<2048xi32, #tpu.memory_space<vmem>>, vector<16xi32>,
      %add3A_124 = arith.constant 1024 : i32
      %add3A_125 = arith.addi %add3A_124, %mul3A_92 : i32
      %get3A_126 = arith.index_cast %add3A_125 : i32 to index
      %get3A_127 = tpu.vector_load %arg6[%get3A_126] {strides = array<i32>} : memref<2048xi32, #tpu.memory_space<vmem>>, vector<16xi32>,
      %bitcast3A = vector.bitcast %get3A_127 : vector<16xi32> to vector<16xf32>
      %add3A_128 = arith.constant 1152 : i32
      %add3A_129 = arith.addi %add3A_128, %mul3A_92 : i32
      %get3A_130 = arith.index_cast %add3A_129 : i32 to index
      %get3A_131 = tpu.vector_load %arg6[%get3A_130] {strides = array<i32>} : memref<2048xi32, #tpu.memory_space<vmem>>, vector<16xi32>,
      %bitcast3A_132 = vector.bitcast %get3A_131 : vector<16xi32> to vector<16xf32>
      %add3A_133 = arith.constant 1280 : i32
      %add3A_134 = arith.addi %add3A_133, %mul3A_92 : i32
      %get3A_135 = arith.index_cast %add3A_134 : i32 to index
      %get3A_136 = tpu.vector_load %arg6[%get3A_135] {strides = array<i32>} : memref<2048xi32, #tpu.memory_space<vmem>>, vector<16xi32>,
      %bitcast3A_137 = vector.bitcast %get3A_136 : vector<16xi32> to vector<16xf32>
      %add3A_138 = arith.constant 1408 : i32
      %add3A_139 = arith.addi %add3A_138, %mul3A_92 : i32
      %get3A_140 = arith.index_cast %add3A_139 : i32 to index
      %get3A_141 = tpu.vector_load %arg6[%get3A_140] {strides = array<i32>} : memref<2048xi32, #tpu.memory_space<vmem>>, vector<16xi32>,
      %bitcast3A_142 = vector.bitcast %get3A_141 : vector<16xi32> to vector<16xf32>
      %add3A_143 = arith.constant 1536 : i32
      %add3A_144 = arith.addi %add3A_143, %mul3A_92 : i32
      %get3A_145 = arith.index_cast %add3A_144 : i32 to index
      %get3A_146 = tpu.vector_load %arg6[%get3A_145] {strides = array<i32>} : memref<2048xi32, #tpu.memory_space<vmem>>, vector<16xi32>,
      %bitcast3A_147 = vector.bitcast %get3A_146 : vector<16xi32> to vector<16xf32>
      %add3A_148 = arith.constant 1664 : i32
      %add3A_149 = arith.addi %add3A_148, %mul3A_92 : i32
      %get3A_150 = arith.index_cast %add3A_149 : i32 to index
      %get3A_151 = tpu.vector_load %arg6[%get3A_150] {strides = array<i32>} : memref<2048xi32, #tpu.memory_space<vmem>>, vector<16xi32>,
      %bitcast3A_152 = vector.bitcast %get3A_151 : vector<16xi32> to vector<16xf32>
      %add3A_153 = arith.constant 1792 : i32
      %add3A_154 = arith.addi %add3A_153, %mul3A_92 : i32
      %get3A_155 = arith.index_cast %add3A_154 : i32 to index
      %get3A_156 = tpu.vector_load %arg6[%get3A_155] {strides = array<i32>} : memref<2048xi32, #tpu.memory_space<vmem>>, vector<16xi32>,
      %bitcast3A_157 = vector.bitcast %get3A_156 : vector<16xi32> to vector<16xf32>
      %add3A_158 = arith.constant 1920 : i32
      %add3A_159 = arith.addi %add3A_158, %mul3A_92 : i32
      %get3A_160 = arith.index_cast %add3A_159 : i32 to index
      %get3A_161 = tpu.vector_load %arg6[%get3A_160] {strides = array<i32>} : memref<2048xi32, #tpu.memory_space<vmem>>, vector<16xi32>,
      %bitcast3A_162 = vector.bitcast %get3A_161 : vector<16xi32> to vector<16xf32>
      %broadcast_in_dim3A = arith.constant 0 : i32
      %broadcast_in_dim3A_163 = vector.broadcast %broadcast_in_dim3A : i32 to vector<16xi32>
      %broadcast_in_dim3A_164 = arith.constant 0.000000e+00 : f32
      %broadcast_in_dim3A_165 = vector.broadcast %broadcast_in_dim3A_164 : f32 to vector<16xf32>
      %add3A_166 = arith.addi %get3A_95, %broadcast_in_dim3A_163 : vector<16xi32>
      %gather3A = tpu.vector_load_idx %arg5[%add3A_166] : memref<32768xf32, #tpu.memory_space<vmem>>[vector<16xi32>], vector<16xf32>,
      %mul3A_167 = arith.mulf %gather3A, %bitcast3A : vector<16xf32>
      %add3A_168 = arith.addf %broadcast_in_dim3A_165, %mul3A_167 : vector<16xf32>
      %add3A_169 = arith.addi %get3A_99, %broadcast_in_dim3A_163 : vector<16xi32>
      %gather3A_170 = tpu.vector_load_idx %arg5[%add3A_169] : memref<32768xf32, #tpu.memory_space<vmem>>[vector<16xi32>], vector<16xf32>,
      %mul3A_171 = arith.mulf %gather3A_170, %bitcast3A_132 : vector<16xf32>
      %add3A_172 = arith.addf %add3A_168, %mul3A_171 : vector<16xf32>
      %add3A_173 = arith.addi %get3A_103, %broadcast_in_dim3A_163 : vector<16xi32>
      %gather3A_174 = tpu.vector_load_idx %arg5[%add3A_173] : memref<32768xf32, #tpu.memory_space<vmem>>[vector<16xi32>], vector<16xf32>,
      %mul3A_175 = arith.mulf %gather3A_174, %bitcast3A_137 : vector<16xf32>
      %add3A_176 = arith.addf %add3A_172, %mul3A_175 : vector<16xf32>
      %add3A_177 = arith.addi %get3A_107, %broadcast_in_dim3A_163 : vector<16xi32>
      %gather3A_178 = tpu.vector_load_idx %arg5[%add3A_177] : memref<32768xf32, #tpu.memory_space<vmem>>[vector<16xi32>], vector<16xf32>,
      %mul3A_179 = arith.mulf %gather3A_178, %bitcast3A_142 : vector<16xf32>
      %add3A_180 = arith.addf %add3A_176, %mul3A_179 : vector<16xf32>
      %add3A_181 = arith.addi %get3A_111, %broadcast_in_dim3A_163 : vector<16xi32>
      %gather3A_182 = tpu.vector_load_idx %arg5[%add3A_181] : memref<32768xf32, #tpu.memory_space<vmem>>[vector<16xi32>], vector<16xf32>,
      %mul3A_183 = arith.mulf %gather3A_182, %bitcast3A_147 : vector<16xf32>
      %add3A_184 = arith.addf %add3A_180, %mul3A_183 : vector<16xf32>
      %add3A_185 = arith.addi %get3A_115, %broadcast_in_dim3A_163 : vector<16xi32>
      %gather3A_186 = tpu.vector_load_idx %arg5[%add3A_185] : memref<32768xf32, #tpu.memory_space<vmem>>[vector<16xi32>], vector<16xf32>,
      %mul3A_187 = arith.mulf %gather3A_186, %bitcast3A_152 : vector<16xf32>
      %add3A_188 = arith.addf %add3A_184, %mul3A_187 : vector<16xf32>
      %add3A_189 = arith.addi %get3A_119, %broadcast_in_dim3A_163 : vector<16xi32>
      %gather3A_190 = tpu.vector_load_idx %arg5[%add3A_189] : memref<32768xf32, #tpu.memory_space<vmem>>[vector<16xi32>], vector<16xf32>,
      %mul3A_191 = arith.mulf %gather3A_190, %bitcast3A_157 : vector<16xf32>
      %add3A_192 = arith.addf %add3A_188, %mul3A_191 : vector<16xf32>
      %add3A_193 = arith.addi %get3A_123, %broadcast_in_dim3A_163 : vector<16xi32>
      %gather3A_194 = tpu.vector_load_idx %arg5[%add3A_193] : memref<32768xf32, #tpu.memory_space<vmem>>[vector<16xi32>], vector<16xf32>,
      %mul3A_195 = arith.mulf %gather3A_194, %bitcast3A_162 : vector<16xf32>
      %add3A_196 = arith.addf %add3A_192, %mul3A_195 : vector<16xf32>
      %swap3A = arith.constant 0 : i32
      %swap3A_197 = arith.index_cast %swap3A : i32 to index
      %swap3A_198 = arith.index_cast %mul3A_92 : i32 to index
      %swap3A_199 = tpu.vector_load %arg7[%swap3A_197, %swap3A_198] {strides = array<i32>} : memref<8x128xf32, #tpu.memory_space<vmem>>, vector<16xf32>,
      tpu.vector_store %arg7[%swap3A_197, %swap3A_198], %add3A_196 {strides = array<i32>} : memref<8x128xf32, #tpu.memory_space<vmem>>, vector<16xf32>,
      %broadcast_in_dim3A_200 = arith.constant 4096 : i32
      %broadcast_in_dim3A_201 = vector.broadcast %broadcast_in_dim3A_200 : i32 to vector<16xi32>
      %broadcast_in_dim3A_202 = arith.constant 0.000000e+00 : f32
      %broadcast_in_dim3A_203 = vector.broadcast %broadcast_in_dim3A_202 : f32 to vector<16xf32>
      %add3A_204 = arith.addi %get3A_95, %broadcast_in_dim3A_201 : vector<16xi32>
      %gather3A_205 = tpu.vector_load_idx %arg5[%add3A_204] : memref<32768xf32, #tpu.memory_space<vmem>>[vector<16xi32>], vector<16xf32>,
      %mul3A_206 = arith.mulf %gather3A_205, %bitcast3A : vector<16xf32>
      %add3A_207 = arith.addf %broadcast_in_dim3A_203, %mul3A_206 : vector<16xf32>
      %add3A_208 = arith.addi %get3A_99, %broadcast_in_dim3A_201 : vector<16xi32>
      %gather3A_209 = tpu.vector_load_idx %arg5[%add3A_208] : memref<32768xf32, #tpu.memory_space<vmem>>[vector<16xi32>], vector<16xf32>,
      %mul3A_210 = arith.mulf %gather3A_209, %bitcast3A_132 : vector<16xf32>
      %add3A_211 = arith.addf %add3A_207, %mul3A_210 : vector<16xf32>
      %add3A_212 = arith.addi %get3A_103, %broadcast_in_dim3A_201 : vector<16xi32>
      %gather3A_213 = tpu.vector_load_idx %arg5[%add3A_212] : memref<32768xf32, #tpu.memory_space<vmem>>[vector<16xi32>], vector<16xf32>,
      %mul3A_214 = arith.mulf %gather3A_213, %bitcast3A_137 : vector<16xf32>
      %add3A_215 = arith.addf %add3A_211, %mul3A_214 : vector<16xf32>
      %add3A_216 = arith.addi %get3A_107, %broadcast_in_dim3A_201 : vector<16xi32>
      %gather3A_217 = tpu.vector_load_idx %arg5[%add3A_216] : memref<32768xf32, #tpu.memory_space<vmem>>[vector<16xi32>], vector<16xf32>,
      %mul3A_218 = arith.mulf %gather3A_217, %bitcast3A_142 : vector<16xf32>
      %add3A_219 = arith.addf %add3A_215, %mul3A_218 : vector<16xf32>
      %add3A_220 = arith.addi %get3A_111, %broadcast_in_dim3A_201 : vector<16xi32>
      %gather3A_221 = tpu.vector_load_idx %arg5[%add3A_220] : memref<32768xf32, #tpu.memory_space<vmem>>[vector<16xi32>], vector<16xf32>,
      %mul3A_222 = arith.mulf %gather3A_221, %bitcast3A_147 : vector<16xf32>
      %add3A_223 = arith.addf %add3A_219, %mul3A_222 : vector<16xf32>
      %add3A_224 = arith.addi %get3A_115, %broadcast_in_dim3A_201 : vector<16xi32>
      %gather3A_225 = tpu.vector_load_idx %arg5[%add3A_224] : memref<32768xf32, #tpu.memory_space<vmem>>[vector<16xi32>], vector<16xf32>,
      %mul3A_226 = arith.mulf %gather3A_225, %bitcast3A_152 : vector<16xf32>
      %add3A_227 = arith.addf %add3A_223, %mul3A_226 : vector<16xf32>
      %add3A_228 = arith.addi %get3A_119, %broadcast_in_dim3A_201 : vector<16xi32>
      %gather3A_229 = tpu.vector_load_idx %arg5[%add3A_228] : memref<32768xf32, #tpu.memory_space<vmem>>[vector<16xi32>], vector<16xf32>,
      %mul3A_230 = arith.mulf %gather3A_229, %bitcast3A_157 : vector<16xf32>
      %add3A_231 = arith.addf %add3A_227, %mul3A_230 : vector<16xf32>
      %add3A_232 = arith.addi %get3A_123, %broadcast_in_dim3A_201 : vector<16xi32>
      %gather3A_233 = tpu.vector_load_idx %arg5[%add3A_232] : memref<32768xf32, #tpu.memory_space<vmem>>[vector<16xi32>], vector<16xf32>,
      %mul3A_234 = arith.mulf %gather3A_233, %bitcast3A_162 : vector<16xf32>
      %add3A_235 = arith.addf %add3A_231, %mul3A_234 : vector<16xf32>
      %swap3A_236 = arith.constant 1 : i32
      %swap3A_237 = arith.index_cast %swap3A_236 : i32 to index
      %swap3A_238 = arith.index_cast %mul3A_92 : i32 to index
      %swap3A_239 = tpu.vector_load %arg7[%swap3A_237, %swap3A_238] {strides = array<i32>} : memref<8x128xf32, #tpu.memory_space<vmem>>, vector<16xf32>,
      tpu.vector_store %arg7[%swap3A_237, %swap3A_238], %add3A_235 {strides = array<i32>} : memref<8x128xf32, #tpu.memory_space<vmem>>, vector<16xf32>,
      %broadcast_in_dim3A_240 = arith.constant 8192 : i32
      %broadcast_in_dim3A_241 = vector.broadcast %broadcast_in_dim3A_240 : i32 to vector<16xi32>
      %broadcast_in_dim3A_242 = arith.constant 0.000000e+00 : f32
      %broadcast_in_dim3A_243 = vector.broadcast %broadcast_in_dim3A_242 : f32 to vector<16xf32>
      %add3A_244 = arith.addi %get3A_95, %broadcast_in_dim3A_241 : vector<16xi32>
      %gather3A_245 = tpu.vector_load_idx %arg5[%add3A_244] : memref<32768xf32, #tpu.memory_space<vmem>>[vector<16xi32>], vector<16xf32>,
      %mul3A_246 = arith.mulf %gather3A_245, %bitcast3A : vector<16xf32>
      %add3A_247 = arith.addf %broadcast_in_dim3A_243, %mul3A_246 : vector<16xf32>
      %add3A_248 = arith.addi %get3A_99, %broadcast_in_dim3A_241 : vector<16xi32>
      %gather3A_249 = tpu.vector_load_idx %arg5[%add3A_248] : memref<32768xf32, #tpu.memory_space<vmem>>[vector<16xi32>], vector<16xf32>,
      %mul3A_250 = arith.mulf %gather3A_249, %bitcast3A_132 : vector<16xf32>
      %add3A_251 = arith.addf %add3A_247, %mul3A_250 : vector<16xf32>
      %add3A_252 = arith.addi %get3A_103, %broadcast_in_dim3A_241 : vector<16xi32>
      %gather3A_253 = tpu.vector_load_idx %arg5[%add3A_252] : memref<32768xf32, #tpu.memory_space<vmem>>[vector<16xi32>], vector<16xf32>,
      %mul3A_254 = arith.mulf %gather3A_253, %bitcast3A_137 : vector<16xf32>
      %add3A_255 = arith.addf %add3A_251, %mul3A_254 : vector<16xf32>
      %add3A_256 = arith.addi %get3A_107, %broadcast_in_dim3A_241 : vector<16xi32>
      %gather3A_257 = tpu.vector_load_idx %arg5[%add3A_256] : memref<32768xf32, #tpu.memory_space<vmem>>[vector<16xi32>], vector<16xf32>,
      %mul3A_258 = arith.mulf %gather3A_257, %bitcast3A_142 : vector<16xf32>
      %add3A_259 = arith.addf %add3A_255, %mul3A_258 : vector<16xf32>
      %add3A_260 = arith.addi %get3A_111, %broadcast_in_dim3A_241 : vector<16xi32>
      %gather3A_261 = tpu.vector_load_idx %arg5[%add3A_260] : memref<32768xf32, #tpu.memory_space<vmem>>[vector<16xi32>], vector<16xf32>,
      %mul3A_262 = arith.mulf %gather3A_261, %bitcast3A_147 : vector<16xf32>
      %add3A_263 = arith.addf %add3A_259, %mul3A_262 : vector<16xf32>
      %add3A_264 = arith.addi %get3A_115, %broadcast_in_dim3A_241 : vector<16xi32>
      %gather3A_265 = tpu.vector_load_idx %arg5[%add3A_264] : memref<32768xf32, #tpu.memory_space<vmem>>[vector<16xi32>], vector<16xf32>,
      %mul3A_266 = arith.mulf %gather3A_265, %bitcast3A_152 : vector<16xf32>
      %add3A_267 = arith.addf %add3A_263, %mul3A_266 : vector<16xf32>
      %add3A_268 = arith.addi %get3A_119, %broadcast_in_dim3A_241 : vector<16xi32>
      %gather3A_269 = tpu.vector_load_idx %arg5[%add3A_268] : memref<32768xf32, #tpu.memory_space<vmem>>[vector<16xi32>], vector<16xf32>,
      %mul3A_270 = arith.mulf %gather3A_269, %bitcast3A_157 : vector<16xf32>
      %add3A_271 = arith.addf %add3A_267, %mul3A_270 : vector<16xf32>
      %add3A_272 = arith.addi %get3A_123, %broadcast_in_dim3A_241 : vector<16xi32>
      %gather3A_273 = tpu.vector_load_idx %arg5[%add3A_272] : memref<32768xf32, #tpu.memory_space<vmem>>[vector<16xi32>], vector<16xf32>,
      %mul3A_274 = arith.mulf %gather3A_273, %bitcast3A_162 : vector<16xf32>
      %add3A_275 = arith.addf %add3A_271, %mul3A_274 : vector<16xf32>
      %swap3A_276 = arith.constant 2 : i32
      %swap3A_277 = arith.index_cast %swap3A_276 : i32 to index
      %swap3A_278 = arith.index_cast %mul3A_92 : i32 to index
      %swap3A_279 = tpu.vector_load %arg7[%swap3A_277, %swap3A_278] {strides = array<i32>} : memref<8x128xf32, #tpu.memory_space<vmem>>, vector<16xf32>,
      tpu.vector_store %arg7[%swap3A_277, %swap3A_278], %add3A_275 {strides = array<i32>} : memref<8x128xf32, #tpu.memory_space<vmem>>, vector<16xf32>,
      %broadcast_in_dim3A_280 = arith.constant 12288 : i32
      %broadcast_in_dim3A_281 = vector.broadcast %broadcast_in_dim3A_280 : i32 to vector<16xi32>
      %broadcast_in_dim3A_282 = arith.constant 0.000000e+00 : f32
      %broadcast_in_dim3A_283 = vector.broadcast %broadcast_in_dim3A_282 : f32 to vector<16xf32>
      %add3A_284 = arith.addi %get3A_95, %broadcast_in_dim3A_281 : vector<16xi32>
      %gather3A_285 = tpu.vector_load_idx %arg5[%add3A_284] : memref<32768xf32, #tpu.memory_space<vmem>>[vector<16xi32>], vector<16xf32>,
      %mul3A_286 = arith.mulf %gather3A_285, %bitcast3A : vector<16xf32>
      %add3A_287 = arith.addf %broadcast_in_dim3A_283, %mul3A_286 : vector<16xf32>
      %add3A_288 = arith.addi %get3A_99, %broadcast_in_dim3A_281 : vector<16xi32>
      %gather3A_289 = tpu.vector_load_idx %arg5[%add3A_288] : memref<32768xf32, #tpu.memory_space<vmem>>[vector<16xi32>], vector<16xf32>,
      %mul3A_290 = arith.mulf %gather3A_289, %bitcast3A_132 : vector<16xf32>
      %add3A_291 = arith.addf %add3A_287, %mul3A_290 : vector<16xf32>
      %add3A_292 = arith.addi %get3A_103, %broadcast_in_dim3A_281 : vector<16xi32>
      %gather3A_293 = tpu.vector_load_idx %arg5[%add3A_292] : memref<32768xf32, #tpu.memory_space<vmem>>[vector<16xi32>], vector<16xf32>,
      %mul3A_294 = arith.mulf %gather3A_293, %bitcast3A_137 : vector<16xf32>
      %add3A_295 = arith.addf %add3A_291, %mul3A_294 : vector<16xf32>
      %add3A_296 = arith.addi %get3A_107, %broadcast_in_dim3A_281 : vector<16xi32>
      %gather3A_297 = tpu.vector_load_idx %arg5[%add3A_296] : memref<32768xf32, #tpu.memory_space<vmem>>[vector<16xi32>], vector<16xf32>,
      %mul3A_298 = arith.mulf %gather3A_297, %bitcast3A_142 : vector<16xf32>
      %add3A_299 = arith.addf %add3A_295, %mul3A_298 : vector<16xf32>
      %add3A_300 = arith.addi %get3A_111, %broadcast_in_dim3A_281 : vector<16xi32>
      %gather3A_301 = tpu.vector_load_idx %arg5[%add3A_300] : memref<32768xf32, #tpu.memory_space<vmem>>[vector<16xi32>], vector<16xf32>,
      %mul3A_302 = arith.mulf %gather3A_301, %bitcast3A_147 : vector<16xf32>
      %add3A_303 = arith.addf %add3A_299, %mul3A_302 : vector<16xf32>
      %add3A_304 = arith.addi %get3A_115, %broadcast_in_dim3A_281 : vector<16xi32>
      %gather3A_305 = tpu.vector_load_idx %arg5[%add3A_304] : memref<32768xf32, #tpu.memory_space<vmem>>[vector<16xi32>], vector<16xf32>,
      %mul3A_306 = arith.mulf %gather3A_305, %bitcast3A_152 : vector<16xf32>
      %add3A_307 = arith.addf %add3A_303, %mul3A_306 : vector<16xf32>
      %add3A_308 = arith.addi %get3A_119, %broadcast_in_dim3A_281 : vector<16xi32>
      %gather3A_309 = tpu.vector_load_idx %arg5[%add3A_308] : memref<32768xf32, #tpu.memory_space<vmem>>[vector<16xi32>], vector<16xf32>,
      %mul3A_310 = arith.mulf %gather3A_309, %bitcast3A_157 : vector<16xf32>
      %add3A_311 = arith.addf %add3A_307, %mul3A_310 : vector<16xf32>
      %add3A_312 = arith.addi %get3A_123, %broadcast_in_dim3A_281 : vector<16xi32>
      %gather3A_313 = tpu.vector_load_idx %arg5[%add3A_312] : memref<32768xf32, #tpu.memory_space<vmem>>[vector<16xi32>], vector<16xf32>,
      %mul3A_314 = arith.mulf %gather3A_313, %bitcast3A_162 : vector<16xf32>
      %add3A_315 = arith.addf %add3A_311, %mul3A_314 : vector<16xf32>
      %swap3A_316 = arith.constant 3 : i32
      %swap3A_317 = arith.index_cast %swap3A_316 : i32 to index
      %swap3A_318 = arith.index_cast %mul3A_92 : i32 to index
      %swap3A_319 = tpu.vector_load %arg7[%swap3A_317, %swap3A_318] {strides = array<i32>} : memref<8x128xf32, #tpu.memory_space<vmem>>, vector<16xf32>,
      tpu.vector_store %arg7[%swap3A_317, %swap3A_318], %add3A_315 {strides = array<i32>} : memref<8x128xf32, #tpu.memory_space<vmem>>, vector<16xf32>,
    }
    %scan3A_35 = arith.constant 8 : i32
    %dma_start3A_36 = arith.constant 0 : i32
    %dma_start3A_37 = arith.constant 0 : i32
    %dma_start3A_38 = tpu.memref_slice %arg7[%dma_start3A_36, %dma_start3A_37] : memref<8x128xf32, #tpu.memory_space<vmem>> -> memref<4x128xf32, #tpu.memory_space<vmem>>
    %dma_start3A_39 = arith.constant 0 : i32
    %dma_start3A_40 = tpu.memref_slice %arg4[%dma_start3A_39, %mul3A_2] : memref<8x4096xf32, #tpu.memory_space<hbm>> -> memref<4x128xf32, #tpu.memory_space<hbm>>
    %dma_start3A_41 = arith.constant 0 : i32
    %dma_start3A_42 = tpu.memref_slice %arg4[%dma_start3A_41, %mul3A_2] : memref<8x4096xf32, #tpu.memory_space<hbm>> -> memref<4x128xf32, #tpu.memory_space<hbm>>
    %dma_start3A_43 = arith.constant 0 : i32
    %dma_start3A_44 = arith.constant 0 : i32
    %dma_start3A_45 = tpu.memref_slice %arg7[%dma_start3A_43, %dma_start3A_44] : memref<8x128xf32, #tpu.memory_space<vmem>> -> memref<4x128xf32, #tpu.memory_space<vmem>>
    tpu.enqueue_dma source(%dma_start3A_45 : memref<4x128xf32, #tpu.memory_space<vmem>>) target(%dma_start3A_42 : memref<4x128xf32, #tpu.memory_space<hbm>>) target_semaphore(%arg10 : memref<!tpu.dma_semaphore, #tpu.memory_space<semaphore_mem>>)
    %dma_wait3A_46 = arith.constant 16384 : i32
    %dma_wait3A_47 = tpu.memref_slice %arg5[%dma_wait3A_46] : memref<32768xf32, #tpu.memory_space<vmem>> -> memref<16384xf32, #tpu.memory_space<vmem>>
    %dma_wait3A_48 = arith.constant 16384 : i32
    %dma_wait3A_49 = tpu.memref_slice %arg2[%dma_wait3A_48] : memref<32768xf32, #tpu.memory_space<hbm>> -> memref<16384xf32, #tpu.memory_space<hbm>>
    %dma_wait3A_50 = arith.constant 16384 : i32
    %dma_wait3A_51 = tpu.memref_slice %arg5[%dma_wait3A_50] : memref<32768xf32, #tpu.memory_space<vmem>> -> memref<16384xf32, #tpu.memory_space<vmem>>
    %dma_wait3A_52 = arith.constant 16384 : i32
    %dma_wait3A_53 = tpu.memref_slice %arg2[%dma_wait3A_52] : memref<32768xf32, #tpu.memory_space<hbm>> -> memref<16384xf32, #tpu.memory_space<hbm>>
    tpu.wait_dma2 semaphore(%arg9 : memref<!tpu.dma_semaphore, #tpu.memory_space<semaphore_mem>>) src(%dma_wait3A_53 : memref<16384xf32, #tpu.memory_space<hbm>>) dst(%dma_wait3A_51 : memref<16384xf32, #tpu.memory_space<vmem>>)
    %scan3A_54 = arith.constant 0 : i32
    %scan3A_55 = arith.constant 0 : i32
    %scan3A_56 = arith.constant 8 : i32
    %scan3A_57 = arith.addi %scan3A_55, %scan3A_56 : i32
    %scan3A_58 = arith.constant 1 : i32
    scf.for %scan3A_90 = %scan3A_55 to %scan3A_57 step %scan3A_58  : i32 {
      %mul3A_91 = arith.constant 16 : i32
      %mul3A_92 = arith.muli %scan3A_90, %mul3A_91 : i32
      %add3A_93 = arith.constant 0 : i32
      %add3A_94 = arith.addi %add3A_93, %mul3A_92 : i32
      %get3A = arith.index_cast %add3A_94 : i32 to index
      %get3A_95 = tpu.vector_load %arg6[%get3A] {strides = array<i32>} : memref<2048xi32, #tpu.memory_space<vmem>>, vector<16xi32>,
      %add3A_96 = arith.constant 128 : i32
      %add3A_97 = arith.addi %add3A_96, %mul3A_92 : i32
      %get3A_98 = arith.index_cast %add3A_97 : i32 to index
      %get3A_99 = tpu.vector_load %arg6[%get3A_98] {strides = array<i32>} : memref<2048xi32, #tpu.memory_space<vmem>>, vector<16xi32>,
      %add3A_100 = arith.constant 256 : i32
      %add3A_101 = arith.addi %add3A_100, %mul3A_92 : i32
      %get3A_102 = arith.index_cast %add3A_101 : i32 to index
      %get3A_103 = tpu.vector_load %arg6[%get3A_102] {strides = array<i32>} : memref<2048xi32, #tpu.memory_space<vmem>>, vector<16xi32>,
      %add3A_104 = arith.constant 384 : i32
      %add3A_105 = arith.addi %add3A_104, %mul3A_92 : i32
      %get3A_106 = arith.index_cast %add3A_105 : i32 to index
      %get3A_107 = tpu.vector_load %arg6[%get3A_106] {strides = array<i32>} : memref<2048xi32, #tpu.memory_space<vmem>>, vector<16xi32>,
      %add3A_108 = arith.constant 512 : i32
      %add3A_109 = arith.addi %add3A_108, %mul3A_92 : i32
      %get3A_110 = arith.index_cast %add3A_109 : i32 to index
      %get3A_111 = tpu.vector_load %arg6[%get3A_110] {strides = array<i32>} : memref<2048xi32, #tpu.memory_space<vmem>>, vector<16xi32>,
      %add3A_112 = arith.constant 640 : i32
      %add3A_113 = arith.addi %add3A_112, %mul3A_92 : i32
      %get3A_114 = arith.index_cast %add3A_113 : i32 to index
      %get3A_115 = tpu.vector_load %arg6[%get3A_114] {strides = array<i32>} : memref<2048xi32, #tpu.memory_space<vmem>>, vector<16xi32>,
      %add3A_116 = arith.constant 768 : i32
      %add3A_117 = arith.addi %add3A_116, %mul3A_92 : i32
      %get3A_118 = arith.index_cast %add3A_117 : i32 to index
      %get3A_119 = tpu.vector_load %arg6[%get3A_118] {strides = array<i32>} : memref<2048xi32, #tpu.memory_space<vmem>>, vector<16xi32>,
      %add3A_120 = arith.constant 896 : i32
      %add3A_121 = arith.addi %add3A_120, %mul3A_92 : i32
      %get3A_122 = arith.index_cast %add3A_121 : i32 to index
      %get3A_123 = tpu.vector_load %arg6[%get3A_122] {strides = array<i32>} : memref<2048xi32, #tpu.memory_space<vmem>>, vector<16xi32>,
      %add3A_124 = arith.constant 1024 : i32
      %add3A_125 = arith.addi %add3A_124, %mul3A_92 : i32
      %get3A_126 = arith.index_cast %add3A_125 : i32 to index
      %get3A_127 = tpu.vector_load %arg6[%get3A_126] {strides = array<i32>} : memref<2048xi32, #tpu.memory_space<vmem>>, vector<16xi32>,
      %bitcast3A = vector.bitcast %get3A_127 : vector<16xi32> to vector<16xf32>
      %add3A_128 = arith.constant 1152 : i32
      %add3A_129 = arith.addi %add3A_128, %mul3A_92 : i32
      %get3A_130 = arith.index_cast %add3A_129 : i32 to index
      %get3A_131 = tpu.vector_load %arg6[%get3A_130] {strides = array<i32>} : memref<2048xi32, #tpu.memory_space<vmem>>, vector<16xi32>,
      %bitcast3A_132 = vector.bitcast %get3A_131 : vector<16xi32> to vector<16xf32>
      %add3A_133 = arith.constant 1280 : i32
      %add3A_134 = arith.addi %add3A_133, %mul3A_92 : i32
      %get3A_135 = arith.index_cast %add3A_134 : i32 to index
      %get3A_136 = tpu.vector_load %arg6[%get3A_135] {strides = array<i32>} : memref<2048xi32, #tpu.memory_space<vmem>>, vector<16xi32>,
      %bitcast3A_137 = vector.bitcast %get3A_136 : vector<16xi32> to vector<16xf32>
      %add3A_138 = arith.constant 1408 : i32
      %add3A_139 = arith.addi %add3A_138, %mul3A_92 : i32
      %get3A_140 = arith.index_cast %add3A_139 : i32 to index
      %get3A_141 = tpu.vector_load %arg6[%get3A_140] {strides = array<i32>} : memref<2048xi32, #tpu.memory_space<vmem>>, vector<16xi32>,
      %bitcast3A_142 = vector.bitcast %get3A_141 : vector<16xi32> to vector<16xf32>
      %add3A_143 = arith.constant 1536 : i32
      %add3A_144 = arith.addi %add3A_143, %mul3A_92 : i32
      %get3A_145 = arith.index_cast %add3A_144 : i32 to index
      %get3A_146 = tpu.vector_load %arg6[%get3A_145] {strides = array<i32>} : memref<2048xi32, #tpu.memory_space<vmem>>, vector<16xi32>,
      %bitcast3A_147 = vector.bitcast %get3A_146 : vector<16xi32> to vector<16xf32>
      %add3A_148 = arith.constant 1664 : i32
      %add3A_149 = arith.addi %add3A_148, %mul3A_92 : i32
      %get3A_150 = arith.index_cast %add3A_149 : i32 to index
      %get3A_151 = tpu.vector_load %arg6[%get3A_150] {strides = array<i32>} : memref<2048xi32, #tpu.memory_space<vmem>>, vector<16xi32>,
      %bitcast3A_152 = vector.bitcast %get3A_151 : vector<16xi32> to vector<16xf32>
      %add3A_153 = arith.constant 1792 : i32
      %add3A_154 = arith.addi %add3A_153, %mul3A_92 : i32
      %get3A_155 = arith.index_cast %add3A_154 : i32 to index
      %get3A_156 = tpu.vector_load %arg6[%get3A_155] {strides = array<i32>} : memref<2048xi32, #tpu.memory_space<vmem>>, vector<16xi32>,
      %bitcast3A_157 = vector.bitcast %get3A_156 : vector<16xi32> to vector<16xf32>
      %add3A_158 = arith.constant 1920 : i32
      %add3A_159 = arith.addi %add3A_158, %mul3A_92 : i32
      %get3A_160 = arith.index_cast %add3A_159 : i32 to index
      %get3A_161 = tpu.vector_load %arg6[%get3A_160] {strides = array<i32>} : memref<2048xi32, #tpu.memory_space<vmem>>, vector<16xi32>,
      %bitcast3A_162 = vector.bitcast %get3A_161 : vector<16xi32> to vector<16xf32>
      %broadcast_in_dim3A = arith.constant 16384 : i32
      %broadcast_in_dim3A_163 = vector.broadcast %broadcast_in_dim3A : i32 to vector<16xi32>
      %broadcast_in_dim3A_164 = arith.constant 0.000000e+00 : f32
      %broadcast_in_dim3A_165 = vector.broadcast %broadcast_in_dim3A_164 : f32 to vector<16xf32>
      %add3A_166 = arith.addi %get3A_95, %broadcast_in_dim3A_163 : vector<16xi32>
      %gather3A = tpu.vector_load_idx %arg5[%add3A_166] : memref<32768xf32, #tpu.memory_space<vmem>>[vector<16xi32>], vector<16xf32>,
      %mul3A_167 = arith.mulf %gather3A, %bitcast3A : vector<16xf32>
      %add3A_168 = arith.addf %broadcast_in_dim3A_165, %mul3A_167 : vector<16xf32>
      %add3A_169 = arith.addi %get3A_99, %broadcast_in_dim3A_163 : vector<16xi32>
      %gather3A_170 = tpu.vector_load_idx %arg5[%add3A_169] : memref<32768xf32, #tpu.memory_space<vmem>>[vector<16xi32>], vector<16xf32>,
      %mul3A_171 = arith.mulf %gather3A_170, %bitcast3A_132 : vector<16xf32>
      %add3A_172 = arith.addf %add3A_168, %mul3A_171 : vector<16xf32>
      %add3A_173 = arith.addi %get3A_103, %broadcast_in_dim3A_163 : vector<16xi32>
      %gather3A_174 = tpu.vector_load_idx %arg5[%add3A_173] : memref<32768xf32, #tpu.memory_space<vmem>>[vector<16xi32>], vector<16xf32>,
      %mul3A_175 = arith.mulf %gather3A_174, %bitcast3A_137 : vector<16xf32>
      %add3A_176 = arith.addf %add3A_172, %mul3A_175 : vector<16xf32>
      %add3A_177 = arith.addi %get3A_107, %broadcast_in_dim3A_163 : vector<16xi32>
      %gather3A_178 = tpu.vector_load_idx %arg5[%add3A_177] : memref<32768xf32, #tpu.memory_space<vmem>>[vector<16xi32>], vector<16xf32>,
      %mul3A_179 = arith.mulf %gather3A_178, %bitcast3A_142 : vector<16xf32>
      %add3A_180 = arith.addf %add3A_176, %mul3A_179 : vector<16xf32>
      %add3A_181 = arith.addi %get3A_111, %broadcast_in_dim3A_163 : vector<16xi32>
      %gather3A_182 = tpu.vector_load_idx %arg5[%add3A_181] : memref<32768xf32, #tpu.memory_space<vmem>>[vector<16xi32>], vector<16xf32>,
      %mul3A_183 = arith.mulf %gather3A_182, %bitcast3A_147 : vector<16xf32>
      %add3A_184 = arith.addf %add3A_180, %mul3A_183 : vector<16xf32>
      %add3A_185 = arith.addi %get3A_115, %broadcast_in_dim3A_163 : vector<16xi32>
      %gather3A_186 = tpu.vector_load_idx %arg5[%add3A_185] : memref<32768xf32, #tpu.memory_space<vmem>>[vector<16xi32>], vector<16xf32>,
      %mul3A_187 = arith.mulf %gather3A_186, %bitcast3A_152 : vector<16xf32>
      %add3A_188 = arith.addf %add3A_184, %mul3A_187 : vector<16xf32>
      %add3A_189 = arith.addi %get3A_119, %broadcast_in_dim3A_163 : vector<16xi32>
      %gather3A_190 = tpu.vector_load_idx %arg5[%add3A_189] : memref<32768xf32, #tpu.memory_space<vmem>>[vector<16xi32>], vector<16xf32>,
      %mul3A_191 = arith.mulf %gather3A_190, %bitcast3A_157 : vector<16xf32>
      %add3A_192 = arith.addf %add3A_188, %mul3A_191 : vector<16xf32>
      %add3A_193 = arith.addi %get3A_123, %broadcast_in_dim3A_163 : vector<16xi32>
      %gather3A_194 = tpu.vector_load_idx %arg5[%add3A_193] : memref<32768xf32, #tpu.memory_space<vmem>>[vector<16xi32>], vector<16xf32>,
      %mul3A_195 = arith.mulf %gather3A_194, %bitcast3A_162 : vector<16xf32>
      %add3A_196 = arith.addf %add3A_192, %mul3A_195 : vector<16xf32>
      %swap3A = arith.constant 4 : i32
      %swap3A_197 = arith.index_cast %swap3A : i32 to index
      %swap3A_198 = arith.index_cast %mul3A_92 : i32 to index
      %swap3A_199 = tpu.vector_load %arg7[%swap3A_197, %swap3A_198] {strides = array<i32>} : memref<8x128xf32, #tpu.memory_space<vmem>>, vector<16xf32>,
      tpu.vector_store %arg7[%swap3A_197, %swap3A_198], %add3A_196 {strides = array<i32>} : memref<8x128xf32, #tpu.memory_space<vmem>>, vector<16xf32>,
      %broadcast_in_dim3A_200 = arith.constant 20480 : i32
      %broadcast_in_dim3A_201 = vector.broadcast %broadcast_in_dim3A_200 : i32 to vector<16xi32>
      %broadcast_in_dim3A_202 = arith.constant 0.000000e+00 : f32
      %broadcast_in_dim3A_203 = vector.broadcast %broadcast_in_dim3A_202 : f32 to vector<16xf32>
      %add3A_204 = arith.addi %get3A_95, %broadcast_in_dim3A_201 : vector<16xi32>
      %gather3A_205 = tpu.vector_load_idx %arg5[%add3A_204] : memref<32768xf32, #tpu.memory_space<vmem>>[vector<16xi32>], vector<16xf32>,
      %mul3A_206 = arith.mulf %gather3A_205, %bitcast3A : vector<16xf32>
      %add3A_207 = arith.addf %broadcast_in_dim3A_203, %mul3A_206 : vector<16xf32>
      %add3A_208 = arith.addi %get3A_99, %broadcast_in_dim3A_201 : vector<16xi32>
      %gather3A_209 = tpu.vector_load_idx %arg5[%add3A_208] : memref<32768xf32, #tpu.memory_space<vmem>>[vector<16xi32>], vector<16xf32>,
      %mul3A_210 = arith.mulf %gather3A_209, %bitcast3A_132 : vector<16xf32>
      %add3A_211 = arith.addf %add3A_207, %mul3A_210 : vector<16xf32>
      %add3A_212 = arith.addi %get3A_103, %broadcast_in_dim3A_201 : vector<16xi32>
      %gather3A_213 = tpu.vector_load_idx %arg5[%add3A_212] : memref<32768xf32, #tpu.memory_space<vmem>>[vector<16xi32>], vector<16xf32>,
      %mul3A_214 = arith.mulf %gather3A_213, %bitcast3A_137 : vector<16xf32>
      %add3A_215 = arith.addf %add3A_211, %mul3A_214 : vector<16xf32>
      %add3A_216 = arith.addi %get3A_107, %broadcast_in_dim3A_201 : vector<16xi32>
      %gather3A_217 = tpu.vector_load_idx %arg5[%add3A_216] : memref<32768xf32, #tpu.memory_space<vmem>>[vector<16xi32>], vector<16xf32>,
      %mul3A_218 = arith.mulf %gather3A_217, %bitcast3A_142 : vector<16xf32>
      %add3A_219 = arith.addf %add3A_215, %mul3A_218 : vector<16xf32>
      %add3A_220 = arith.addi %get3A_111, %broadcast_in_dim3A_201 : vector<16xi32>
      %gather3A_221 = tpu.vector_load_idx %arg5[%add3A_220] : memref<32768xf32, #tpu.memory_space<vmem>>[vector<16xi32>], vector<16xf32>,
      %mul3A_222 = arith.mulf %gather3A_221, %bitcast3A_147 : vector<16xf32>
      %add3A_223 = arith.addf %add3A_219, %mul3A_222 : vector<16xf32>
      %add3A_224 = arith.addi %get3A_115, %broadcast_in_dim3A_201 : vector<16xi32>
      %gather3A_225 = tpu.vector_load_idx %arg5[%add3A_224] : memref<32768xf32, #tpu.memory_space<vmem>>[vector<16xi32>], vector<16xf32>,
      %mul3A_226 = arith.mulf %gather3A_225, %bitcast3A_152 : vector<16xf32>
      %add3A_227 = arith.addf %add3A_223, %mul3A_226 : vector<16xf32>
      %add3A_228 = arith.addi %get3A_119, %broadcast_in_dim3A_201 : vector<16xi32>
      %gather3A_229 = tpu.vector_load_idx %arg5[%add3A_228] : memref<32768xf32, #tpu.memory_space<vmem>>[vector<16xi32>], vector<16xf32>,
      %mul3A_230 = arith.mulf %gather3A_229, %bitcast3A_157 : vector<16xf32>
      %add3A_231 = arith.addf %add3A_227, %mul3A_230 : vector<16xf32>
      %add3A_232 = arith.addi %get3A_123, %broadcast_in_dim3A_201 : vector<16xi32>
      %gather3A_233 = tpu.vector_load_idx %arg5[%add3A_232] : memref<32768xf32, #tpu.memory_space<vmem>>[vector<16xi32>], vector<16xf32>,
      %mul3A_234 = arith.mulf %gather3A_233, %bitcast3A_162 : vector<16xf32>
      %add3A_235 = arith.addf %add3A_231, %mul3A_234 : vector<16xf32>
      %swap3A_236 = arith.constant 5 : i32
      %swap3A_237 = arith.index_cast %swap3A_236 : i32 to index
      %swap3A_238 = arith.index_cast %mul3A_92 : i32 to index
      %swap3A_239 = tpu.vector_load %arg7[%swap3A_237, %swap3A_238] {strides = array<i32>} : memref<8x128xf32, #tpu.memory_space<vmem>>, vector<16xf32>,
      tpu.vector_store %arg7[%swap3A_237, %swap3A_238], %add3A_235 {strides = array<i32>} : memref<8x128xf32, #tpu.memory_space<vmem>>, vector<16xf32>,
      %broadcast_in_dim3A_240 = arith.constant 24576 : i32
      %broadcast_in_dim3A_241 = vector.broadcast %broadcast_in_dim3A_240 : i32 to vector<16xi32>
      %broadcast_in_dim3A_242 = arith.constant 0.000000e+00 : f32
      %broadcast_in_dim3A_243 = vector.broadcast %broadcast_in_dim3A_242 : f32 to vector<16xf32>
      %add3A_244 = arith.addi %get3A_95, %broadcast_in_dim3A_241 : vector<16xi32>
      %gather3A_245 = tpu.vector_load_idx %arg5[%add3A_244] : memref<32768xf32, #tpu.memory_space<vmem>>[vector<16xi32>], vector<16xf32>,
      %mul3A_246 = arith.mulf %gather3A_245, %bitcast3A : vector<16xf32>
      %add3A_247 = arith.addf %broadcast_in_dim3A_243, %mul3A_246 : vector<16xf32>
      %add3A_248 = arith.addi %get3A_99, %broadcast_in_dim3A_241 : vector<16xi32>
      %gather3A_249 = tpu.vector_load_idx %arg5[%add3A_248] : memref<32768xf32, #tpu.memory_space<vmem>>[vector<16xi32>], vector<16xf32>,
      %mul3A_250 = arith.mulf %gather3A_249, %bitcast3A_132 : vector<16xf32>
      %add3A_251 = arith.addf %add3A_247, %mul3A_250 : vector<16xf32>
      %add3A_252 = arith.addi %get3A_103, %broadcast_in_dim3A_241 : vector<16xi32>
      %gather3A_253 = tpu.vector_load_idx %arg5[%add3A_252] : memref<32768xf32, #tpu.memory_space<vmem>>[vector<16xi32>], vector<16xf32>,
      %mul3A_254 = arith.mulf %gather3A_253, %bitcast3A_137 : vector<16xf32>
      %add3A_255 = arith.addf %add3A_251, %mul3A_254 : vector<16xf32>
      %add3A_256 = arith.addi %get3A_107, %broadcast_in_dim3A_241 : vector<16xi32>
      %gather3A_257 = tpu.vector_load_idx %arg5[%add3A_256] : memref<32768xf32, #tpu.memory_space<vmem>>[vector<16xi32>], vector<16xf32>,
      %mul3A_258 = arith.mulf %gather3A_257, %bitcast3A_142 : vector<16xf32>
      %add3A_259 = arith.addf %add3A_255, %mul3A_258 : vector<16xf32>
      %add3A_260 = arith.addi %get3A_111, %broadcast_in_dim3A_241 : vector<16xi32>
      %gather3A_261 = tpu.vector_load_idx %arg5[%add3A_260] : memref<32768xf32, #tpu.memory_space<vmem>>[vector<16xi32>], vector<16xf32>,
      %mul3A_262 = arith.mulf %gather3A_261, %bitcast3A_147 : vector<16xf32>
      %add3A_263 = arith.addf %add3A_259, %mul3A_262 : vector<16xf32>
      %add3A_264 = arith.addi %get3A_115, %broadcast_in_dim3A_241 : vector<16xi32>
      %gather3A_265 = tpu.vector_load_idx %arg5[%add3A_264] : memref<32768xf32, #tpu.memory_space<vmem>>[vector<16xi32>], vector<16xf32>,
      %mul3A_266 = arith.mulf %gather3A_265, %bitcast3A_152 : vector<16xf32>
      %add3A_267 = arith.addf %add3A_263, %mul3A_266 : vector<16xf32>
      %add3A_268 = arith.addi %get3A_119, %broadcast_in_dim3A_241 : vector<16xi32>
      %gather3A_269 = tpu.vector_load_idx %arg5[%add3A_268] : memref<32768xf32, #tpu.memory_space<vmem>>[vector<16xi32>], vector<16xf32>,
      %mul3A_270 = arith.mulf %gather3A_269, %bitcast3A_157 : vector<16xf32>
      %add3A_271 = arith.addf %add3A_267, %mul3A_270 : vector<16xf32>
      %add3A_272 = arith.addi %get3A_123, %broadcast_in_dim3A_241 : vector<16xi32>
      %gather3A_273 = tpu.vector_load_idx %arg5[%add3A_272] : memref<32768xf32, #tpu.memory_space<vmem>>[vector<16xi32>], vector<16xf32>,
      %mul3A_274 = arith.mulf %gather3A_273, %bitcast3A_162 : vector<16xf32>
      %add3A_275 = arith.addf %add3A_271, %mul3A_274 : vector<16xf32>
      %swap3A_276 = arith.constant 6 : i32
      %swap3A_277 = arith.index_cast %swap3A_276 : i32 to index
      %swap3A_278 = arith.index_cast %mul3A_92 : i32 to index
      %swap3A_279 = tpu.vector_load %arg7[%swap3A_277, %swap3A_278] {strides = array<i32>} : memref<8x128xf32, #tpu.memory_space<vmem>>, vector<16xf32>,
      tpu.vector_store %arg7[%swap3A_277, %swap3A_278], %add3A_275 {strides = array<i32>} : memref<8x128xf32, #tpu.memory_space<vmem>>, vector<16xf32>,
      %broadcast_in_dim3A_280 = arith.constant 28672 : i32
      %broadcast_in_dim3A_281 = vector.broadcast %broadcast_in_dim3A_280 : i32 to vector<16xi32>
      %broadcast_in_dim3A_282 = arith.constant 0.000000e+00 : f32
      %broadcast_in_dim3A_283 = vector.broadcast %broadcast_in_dim3A_282 : f32 to vector<16xf32>
      %add3A_284 = arith.addi %get3A_95, %broadcast_in_dim3A_281 : vector<16xi32>
      %gather3A_285 = tpu.vector_load_idx %arg5[%add3A_284] : memref<32768xf32, #tpu.memory_space<vmem>>[vector<16xi32>], vector<16xf32>,
      %mul3A_286 = arith.mulf %gather3A_285, %bitcast3A : vector<16xf32>
      %add3A_287 = arith.addf %broadcast_in_dim3A_283, %mul3A_286 : vector<16xf32>
      %add3A_288 = arith.addi %get3A_99, %broadcast_in_dim3A_281 : vector<16xi32>
      %gather3A_289 = tpu.vector_load_idx %arg5[%add3A_288] : memref<32768xf32, #tpu.memory_space<vmem>>[vector<16xi32>], vector<16xf32>,
      %mul3A_290 = arith.mulf %gather3A_289, %bitcast3A_132 : vector<16xf32>
      %add3A_291 = arith.addf %add3A_287, %mul3A_290 : vector<16xf32>
      %add3A_292 = arith.addi %get3A_103, %broadcast_in_dim3A_281 : vector<16xi32>
      %gather3A_293 = tpu.vector_load_idx %arg5[%add3A_292] : memref<32768xf32, #tpu.memory_space<vmem>>[vector<16xi32>], vector<16xf32>,
      %mul3A_294 = arith.mulf %gather3A_293, %bitcast3A_137 : vector<16xf32>
      %add3A_295 = arith.addf %add3A_291, %mul3A_294 : vector<16xf32>
      %add3A_296 = arith.addi %get3A_107, %broadcast_in_dim3A_281 : vector<16xi32>
      %gather3A_297 = tpu.vector_load_idx %arg5[%add3A_296] : memref<32768xf32, #tpu.memory_space<vmem>>[vector<16xi32>], vector<16xf32>,
      %mul3A_298 = arith.mulf %gather3A_297, %bitcast3A_142 : vector<16xf32>
      %add3A_299 = arith.addf %add3A_295, %mul3A_298 : vector<16xf32>
      %add3A_300 = arith.addi %get3A_111, %broadcast_in_dim3A_281 : vector<16xi32>
      %gather3A_301 = tpu.vector_load_idx %arg5[%add3A_300] : memref<32768xf32, #tpu.memory_space<vmem>>[vector<16xi32>], vector<16xf32>,
      %mul3A_302 = arith.mulf %gather3A_301, %bitcast3A_147 : vector<16xf32>
      %add3A_303 = arith.addf %add3A_299, %mul3A_302 : vector<16xf32>
      %add3A_304 = arith.addi %get3A_115, %broadcast_in_dim3A_281 : vector<16xi32>
      %gather3A_305 = tpu.vector_load_idx %arg5[%add3A_304] : memref<32768xf32, #tpu.memory_space<vmem>>[vector<16xi32>], vector<16xf32>,
      %mul3A_306 = arith.mulf %gather3A_305, %bitcast3A_152 : vector<16xf32>
      %add3A_307 = arith.addf %add3A_303, %mul3A_306 : vector<16xf32>
      %add3A_308 = arith.addi %get3A_119, %broadcast_in_dim3A_281 : vector<16xi32>
      %gather3A_309 = tpu.vector_load_idx %arg5[%add3A_308] : memref<32768xf32, #tpu.memory_space<vmem>>[vector<16xi32>], vector<16xf32>,
      %mul3A_310 = arith.mulf %gather3A_309, %bitcast3A_157 : vector<16xf32>
      %add3A_311 = arith.addf %add3A_307, %mul3A_310 : vector<16xf32>
      %add3A_312 = arith.addi %get3A_123, %broadcast_in_dim3A_281 : vector<16xi32>
      %gather3A_313 = tpu.vector_load_idx %arg5[%add3A_312] : memref<32768xf32, #tpu.memory_space<vmem>>[vector<16xi32>], vector<16xf32>,
      %mul3A_314 = arith.mulf %gather3A_313, %bitcast3A_162 : vector<16xf32>
      %add3A_315 = arith.addf %add3A_311, %mul3A_314 : vector<16xf32>
      %swap3A_316 = arith.constant 7 : i32
      %swap3A_317 = arith.index_cast %swap3A_316 : i32 to index
      %swap3A_318 = arith.index_cast %mul3A_92 : i32 to index
      %swap3A_319 = tpu.vector_load %arg7[%swap3A_317, %swap3A_318] {strides = array<i32>} : memref<8x128xf32, #tpu.memory_space<vmem>>, vector<16xf32>,
      tpu.vector_store %arg7[%swap3A_317, %swap3A_318], %add3A_315 {strides = array<i32>} : memref<8x128xf32, #tpu.memory_space<vmem>>, vector<16xf32>,
    }
    %scan3A_59 = arith.constant 8 : i32
    %dma_start3A_60 = arith.constant 4 : i32
    %dma_start3A_61 = arith.constant 0 : i32
    %dma_start3A_62 = tpu.memref_slice %arg7[%dma_start3A_60, %dma_start3A_61] : memref<8x128xf32, #tpu.memory_space<vmem>> -> memref<4x128xf32, #tpu.memory_space<vmem>>
    %dma_start3A_63 = arith.constant 4 : i32
    %dma_start3A_64 = tpu.memref_slice %arg4[%dma_start3A_63, %mul3A_2] : memref<8x4096xf32, #tpu.memory_space<hbm>> -> memref<4x128xf32, #tpu.memory_space<hbm>>
    %dma_start3A_65 = arith.constant 4 : i32
    %dma_start3A_66 = tpu.memref_slice %arg4[%dma_start3A_65, %mul3A_2] : memref<8x4096xf32, #tpu.memory_space<hbm>> -> memref<4x128xf32, #tpu.memory_space<hbm>>
    %dma_start3A_67 = arith.constant 4 : i32
    %dma_start3A_68 = arith.constant 0 : i32
    %dma_start3A_69 = tpu.memref_slice %arg7[%dma_start3A_67, %dma_start3A_68] : memref<8x128xf32, #tpu.memory_space<vmem>> -> memref<4x128xf32, #tpu.memory_space<vmem>>
    tpu.enqueue_dma source(%dma_start3A_69 : memref<4x128xf32, #tpu.memory_space<vmem>>) target(%dma_start3A_66 : memref<4x128xf32, #tpu.memory_space<hbm>>) target_semaphore(%arg10 : memref<!tpu.dma_semaphore, #tpu.memory_space<semaphore_mem>>)
    %dma_wait3A_70 = arith.constant 0 : i32
    %dma_wait3A_71 = arith.constant 0 : i32
    %dma_wait3A_72 = tpu.memref_slice %arg7[%dma_wait3A_70, %dma_wait3A_71] : memref<8x128xf32, #tpu.memory_space<vmem>> -> memref<4x128xf32, #tpu.memory_space<vmem>>
    %dma_wait3A_73 = arith.constant 0 : i32
    %dma_wait3A_74 = tpu.memref_slice %arg4[%dma_wait3A_73, %mul3A_2] : memref<8x4096xf32, #tpu.memory_space<hbm>> -> memref<4x128xf32, #tpu.memory_space<hbm>>
    %dma_wait3A_75 = arith.constant 0 : i32
    %dma_wait3A_76 = tpu.memref_slice %arg4[%dma_wait3A_75, %mul3A_2] : memref<8x4096xf32, #tpu.memory_space<hbm>> -> memref<4x128xf32, #tpu.memory_space<hbm>>
    %dma_wait3A_77 = arith.constant 0 : i32
    %dma_wait3A_78 = arith.constant 0 : i32
    %dma_wait3A_79 = tpu.memref_slice %arg7[%dma_wait3A_77, %dma_wait3A_78] : memref<8x128xf32, #tpu.memory_space<vmem>> -> memref<4x128xf32, #tpu.memory_space<vmem>>
    tpu.wait_dma2 semaphore(%arg10 : memref<!tpu.dma_semaphore, #tpu.memory_space<semaphore_mem>>) src(%dma_wait3A_79 : memref<4x128xf32, #tpu.memory_space<vmem>>) dst(%dma_wait3A_76 : memref<4x128xf32, #tpu.memory_space<hbm>>)
    %dma_wait3A_80 = arith.constant 4 : i32
    %dma_wait3A_81 = arith.constant 0 : i32
    %dma_wait3A_82 = tpu.memref_slice %arg7[%dma_wait3A_80, %dma_wait3A_81] : memref<8x128xf32, #tpu.memory_space<vmem>> -> memref<4x128xf32, #tpu.memory_space<vmem>>
    %dma_wait3A_83 = arith.constant 4 : i32
    %dma_wait3A_84 = tpu.memref_slice %arg4[%dma_wait3A_83, %mul3A_2] : memref<8x4096xf32, #tpu.memory_space<hbm>> -> memref<4x128xf32, #tpu.memory_space<hbm>>
    %dma_wait3A_85 = arith.constant 4 : i32
    %dma_wait3A_86 = tpu.memref_slice %arg4[%dma_wait3A_85, %mul3A_2] : memref<8x4096xf32, #tpu.memory_space<hbm>> -> memref<4x128xf32, #tpu.memory_space<hbm>>
    %dma_wait3A_87 = arith.constant 4 : i32
    %dma_wait3A_88 = arith.constant 0 : i32
    %dma_wait3A_89 = tpu.memref_slice %arg7[%dma_wait3A_87, %dma_wait3A_88] : memref<8x128xf32, #tpu.memory_space<vmem>> -> memref<4x128xf32, #tpu.memory_space<vmem>>
    tpu.wait_dma2 semaphore(%arg10 : memref<!tpu.dma_semaphore, #tpu.memory_space<semaphore_mem>>) src(%dma_wait3A_89 : memref<4x128xf32, #tpu.memory_space<vmem>>) dst(%dma_wait3A_86 : memref<4x128xf32, #tpu.memory_space<hbm>>)
    return
  }
}

</mosaic_0001>

<sc_bundles>
// kernel: kernel.3.cloned.1.call-start
scs
__scs_entry_jumppad:
0x0: {  	(pc) =	sbr.rel $0x88, $3  }
0x1: {  	(tag) =	ssettag $0x0;
	lr =	simm.s32 $0x1  }
0x2: {  	[smem:$0x3FA0] =	sst lr;
	_ =	strace $0xD0000000  }
0x3: {  	_ = 	snop  }
0x4: {  	_ = 	snop  }
0x5: {  	_ = 	snop  }
0x6: {  	_ = 	snop  }
0x7: {  	_ = 	snop  }
__scs_overlays_trampoline_lowered:
0x8: {  	[smem:$0x3FAF] =	sst s0  }
0x9: {  	[smem:$0x3FB0] =	sst s1  }
0xa: {  	[smem:$0x3FB1] =	sst s2  }
0xb: {  	[smem:$0x3FB2] =	sst s3  }
0xc: {  	[smem:$0x3FB3] =	sst s4  }
0xd: {  	[smem:$0x3FB4] =	sst s5  }
0xe: {  	[smem:$0x3FB5] =	sst s6  }
0xf: {  	[smem:$0x3FB6] =	sst s7  }
0x10: {  	[smem:$0x3FB7] =	sst s8  }
0x11: {  	[smem:$0x3FB8] =	sst s9;
	s0 =	simm.s32 @!p0 $0x0  }
0x12: {  	s1 =	sld [smem:$0x3F9E];
	s0 =	simm.s32 @p0 $0x1  }
0x13: {  	[smem:$0x3FB9] =	sst s0;
	s0 =	simm.s32 @!p1 $0x0  }
0x14: {  	s2 =	sld [smem:$0x3F9D];
	s0 =	simm.s32 @p1 $0x1  }
0x15: {  	[smem:$0x3FBA] =	sst s0;
	s0 =	simm.s32 @!p2 $0x0  }
0x16: {  	s3 =	sld [smem:$0x3FDB];
	s0 =	simm.s32 @p2 $0x1  }
0x17: {  	s4 =	simm.s32 $0x1BF5;
	[smem:$0x3FBC] =	sst s0  }
0x18: {  	s0 =	sld [smem:$0x3F9F];
	_ =	swait.ge [sflag:s4], $0x0  }
0x19: {  	s7 =	sld [smem:$0x3FA0]  }
0x1a: {  	s8 =	sadd.s32 $0xFFFFE003, lr  }
0x1b: {  	s9 =	sadd.s32 $0xFFFFFEF7, lr;
	s5 =	simm.s32 $0xFFFFFFFF;
	p2 =	slt.u32 s8, $0xFFFFF086  }
0x1c: {  	p1 =	slt.u32 s9, $0xF7A;
	s5 =	simm.s32 @!p2 $0x0  }
0x1d: {  	s5 =	simm.s32 @p1 $0x1;
	p0 =	seq.s32 s7, s2  }
0x1e: {  	s7 =	smul.u32 @!p0 $0xF7A, s2;
	p2 =	seq.s32 @!p0 s5, $0x0  }
0x1f: {  	s9 =	smul.u32 $0xF7A, s1;
	s8 =	simm.s32 @!p0 $0x1BF5;
	p2 =	por !p2, p0  }
0x20: {  	[sflag:s8] =	ssyncset.s32 @!p0 $0xFFFFF086;
	s6 =	sadd.s32 @!p0 s3, s7;
	s7 =	simm.s32 @!p0 $0x108  }
0x21: {  	s3 =	sadd.s32 s3, s9;
	s6 =	sadd.s32 @!p0 $0x88, s6;
	s7 =	simm.s32 @p2 $0x1082  }
0x22: {  	[simem:s7], [sflag:s8] =	dma.local @!p0 [hbm:s6], $0xF7A  }
0x23: {  	s9 =	sor.u32 $0xD0000000, s2;
	s6 =	simm.s32 $0x108;
	_ =	swait.ge @!p0 [sflag:s8], $0x0  }
0x24: {  	s3 =	sadd.s32 $0x88, s3;
	s6 =	simm.s32 @!p1 $0x1082;
	[sflag:s4] =	ssyncset.s32 $0xFFFFF086  }
0x25: {  	[simem:s6], [sflag:s4] =	dma.local [hbm:s3], $0xF7A  }
0x26: {  	[smem:$0x3FA0] =	sst s1;
	(tag) =	ssettag s2;
	_ =	strace s9  }
0x27: {  	s1 =	sld [smem:$0x3FB0]  }
0x28: {  	s2 =	sld [smem:$0x3FB1]  }
0x29: {  	s4 =	sld [smem:$0x3FB3]  }
0x2a: {  	p0 =	seq.s32 s5, $0x0;
	s5 =	sld [smem:$0x3FB4]  }
0x2b: {  	s6 =	sld [smem:$0x3FB5]  }
0x2c: {  	s7 =	sld [smem:$0x3FB6]  }
0x2d: {  	s3 =	simm.s32 $0x108;
	s8 =	sld [smem:$0x3FB7]  }
0x2e: {  	s3 =	simm.s32 @!p0 $0x1082;
	s9 =	sld [smem:$0x3FB8]  }
0x2f: {  	lr =	sadd.s32 s0, s3;
	s0 =	sld [smem:$0x3FAF]  }
0x30: {  	s3 =	sld [smem:$0x3FB2]  }
0x31: {  	[smem:$0x3FBB] =	sst s10  }
0x32: {  	s10 =	sld [smem:$0x3FB9];
	_ =	sdelay $0x3  }
0x33: {  	p0 =	seq.s32 s10, $0x1;
	s10 =	sld [smem:$0x3FBB];
	_ =	sdelay $0x3  }
0x34: {  	[smem:$0x3FBB] =	sst s10  }
0x35: {  	s10 =	sld [smem:$0x3FBA];
	_ =	sdelay $0x3  }
0x36: {  	p1 =	seq.s32 s10, $0x1;
	s10 =	sld [smem:$0x3FBB];
	_ =	sdelay $0x3  }
0x37: {  	[smem:$0x3FBB] =	sst s10  }
0x38: {  	s10 =	sld [smem:$0x3FBC]  }
0x39: {  	_ = 	snop;
	(pc) =	sbr.ind lr, $3  }
0x3a: {  	_ = 	snop  }
0x3b: {  	_ = 	snop  }
0x3c: {  	p2 =	seq.s32 s10, $0x1;
	s10 =	sld [smem:$0x3FBB]  }
0x3d: {  	_ =	shalt  }
0x3e: {  	_ =	shalt  }
0x3f: {  	_ =	shalt  }
0x40: {  	_ =	shalt  }
0x41: {  	_ =	shalt  }
0x42: {  	_ =	shalt  }
0x43: {  	_ =	shalt  }
0x44: {  	_ =	shalt  }
0x45: {  	_ =	shalt  }
0x46: {  	_ =	shalt  }
0x47: {  	_ =	shalt  }
0x48: {  	_ =	shalt  }
0x49: {  	_ =	shalt  }
0x4a: {  	_ =	shalt  }
0x4b: {  	_ =	shalt  }
0x4c: {  	_ =	shalt  }
0x4d: {  	_ =	shalt  }
0x4e: {  	_ =	shalt  }
0x4f: {  	_ =	shalt  }
0x50: {  	_ =	shalt  }
0x51: {  	_ =	shalt  }
0x52: {  	_ =	shalt  }
0x53: {  	_ =	shalt  }
0x54: {  	_ =	shalt  }
0x55: {  	_ =	shalt  }
0x56: {  	_ =	shalt  }
0x57: {  	_ =	shalt  }
0x58: {  	_ =	shalt  }
0x59: {  	_ =	shalt  }
0x5a: {  	_ =	shalt  }
0x5b: {  	_ =	shalt  }
0x5c: {  	_ =	shalt  }
0x5d: {  	_ =	shalt  }
0x5e: {  	_ =	shalt  }
0x5f: {  	_ =	shalt  }
0x60: {  	_ =	shalt  }
0x61: {  	_ =	shalt  }
0x62: {  	_ =	shalt  }
0x63: {  	_ =	shalt  }
0x64: {  	_ =	shalt  }
0x65: {  	_ =	shalt  }
0x66: {  	_ =	shalt  }
0x67: {  	_ =	shalt  }
0x68: {  	_ =	shalt  }
0x69: {  	_ =	shalt  }
0x6a: {  	_ =	shalt  }
0x6b: {  	_ =	shalt  }
0x6c: {  	_ =	shalt  }
0x6d: {  	_ =	shalt  }
0x6e: {  	_ =	shalt  }
0x6f: {  	_ =	shalt  }
0x70: {  	_ =	shalt  }
0x71: {  	_ =	shalt  }
0x72: {  	_ =	shalt  }
0x73: {  	_ =	shalt  }
0x74: {  	_ =	shalt  }
0x75: {  	_ =	shalt  }
0x76: {  	_ =	shalt  }
0x77: {  	_ =	shalt  }
0x78: {  	_ =	shalt  }
0x79: {  	_ =	shalt  }
0x7a: {  	_ =	shalt  }
0x7b: {  	_ =	shalt  }
0x7c: {  	_ =	shalt  }
0x7d: {  	_ =	shalt  }
0x7e: {  	_ =	shalt  }
0x7f: {  	_ =	shalt  }
0x80: {  	_ =	shalt  }
0x81: {  	_ =	shalt  }
0x82: {  	_ =	shalt  }
0x83: {  	_ =	shalt  }
0x84: {  	_ =	shalt  }
0x85: {  	_ =	shalt  }
0x86: {  	_ =	shalt  }
0x87: {  	_ =	shalt  }
.Lfunc_end0:
.L_simem_size_0:
called_computation_lowered:
.L_overlay_start_0:
0x88: {  	s2 =	sld [smem:$0x3FD9]  }
0x89: {  	s3 =	sld [smem:$0x3FFE];
	_ =	sdelay $0x1  }
0x8a: {  	s1 =	srdreg.scid  }
0x8b: {  	s0 =	sand.u32 $0x1, s1  }
0x8c: {  	s17 =	sshll.u32 s0, $0xA;
	s2 =	sadd.s32 s3, s2  }
0x8d: {  	s2 =	sadd.s32 s2, s17  }
0x8e: {  	[smem:$0x3FC7] =	sst s2  }
0x8f: {  	_ = 	snop  }
0x90: {  	s2 =	sld [smem:$0x3FD0];
	(tm) =	ssettm $0x1  }
0x91: {  	s18 =	sld [smem:$0x3FFB];
	_ =	sdelay $0x3  }
0x92: {  	_ =	strace s18  }
0x93: {  	s3 =	sld [smem:$0x3FFC];
	_ =	sdelay $0x3  }
0x94: {  	_ =	strace s3  }
0x95: {  	s3 =	sld [smem:$0x3FFD];
	_ =	sdelay $0x3  }
0x96: {  	_ =	strace s3  }
0x97: {  	_ =	strace $0x8FFFFFFF  }
0x98: {  	s19 =	sld [smem:$0x3FDB];
	_ =	sdelay $0x1  }
0x99: {  	s4 =	simm.s32 $_scs_section_size  }
0x9a: {  	s5 =	simm.s32 $_size__tile_overlayer_lowered;
	s6 =	simm.s32 $_tile_overlayer_lowered  }
0x9b: {  	s22 =	simm.s32 $0x1BFF;
	s21 =	sshll.u32 s6, $0x1;
	s3 =	sadd.s32 s4, s19  }
0x9c: {  	s7 =	simm.s32 $0x0;
	s20 =	sshll.u32 s5, $0x1;
	s5 =	sadd.s32 s21, s3  }
0x9d: {  	[timem:s7], [sflag:s22] =	dma.local [hbm:s5], s20  }
0x9e: {  	_ =	swait.ge [sflag:s22], s20  }
0x9f: {  	s4 =	ssub.s32 $0x0, s20;
	[sflag:s22] =	ssyncset.done $0x0  }
0xa0: {  	[sflag:s22] =	ssyncadd.s32 s4;
	_ =	sdelay $0x1  }
0xa1: {  	s23 =	simm.s32 $0x1B8B  }
0xa2: {  	_ =	swait.ge [sflag:s23], $0x1  }
0xa3: {  	[sflag:s23] =	ssyncset.done $0x0  }
0xa4: {  	s25 =	simm.s32 $0x1B8E;
	s24 =	sld [smem:$0x3FFE];
	[sflag:s23] =	ssyncadd.s32 $0xFFFFFFFF  }
0xa5: {  	s26 =	simm.s32 $execute0_lowered;
	[smem:$0x3FD2] =	sst s25  }
0xa6: {  	s5 =	sshll.u32 s26, $0x1;
	_ =	strace $0x80000046;
	[dreg:$0x1] =	wrdreg $0xFFFFFFFF  }
0xa7: {  	s28 =	simm.s32 $_size_execute0_lowered;
	s3 =	sadd.s32 s3, s5;
	[dreg:$0x0] =	wrdreg $0x0  }
0xa8: {  	s5 =	sshll.u32 s28, $0x1;
	[dreg:$0x2] =	wrdreg s3  }
0xa9: {  	[dreg:$0x3] =	wrdreg s5  }
0xaa: {  	[dreg:$0x4] =	wrdreg $0xC0  }
0xab: {  	_ =	task [dreg:s7], $0x5FFFF  }
0xac: {  	[dreg:$0x1] =	wrdreg $0xFFFFFFFF  }
0xad: {  	[dreg:$0x0] =	wrdreg $0x60  }
0xae: {  	[dreg:$0x2] =	wrdreg s2  }
0xaf: {  	[dreg:$0x3] =	wrdreg s24  }
0xb0: {  	[dreg:$0x4] =	wrdreg $0x9  }
0xb1: {  	_ =	task.clear_ibuf [dreg:s7], $0x5FFFF;
	_ =	strace $0x90000046  }
0xb2: {  	s29 =	simm.s32 $0x9;
	_ =	strace $0x80000048  }
0xb3: {  	_ =	swait.ge [sflag:s29], $0x1  }
0xb4: {  	[sflag:s29] =	ssyncadd.s32 $0xFFFFFFFF  }
0xb5: {  	_ =	strace $0x90000048  }
0xb6: {  	_ =	sfence  }
0xb7: {  	s30 =	sld [smem:$0x0];
	_ =	sdelay $0x2  }
0xb8: {  	s31 =	sshll.u32 s1, $0xD;
	s1 =	sshrl.u32 s1, $0x2  }
0xb9: {  	s3 =	sand.u32 $0x4000, s31;
	s1 =	sadd.s32 s1, s30  }
0xba: {  	s0 =	sor.u32 s3, s0;
	s1 =	sshll.u32 s1, $0x11  }
0xbb: {  	s0 =	sor.u32 s1, s0  }
0xbc: {  	s0 =	sadd.s32 $0x8F2B, s0  }
0xbd: {  	[sflag:s0] =	ssyncadd.remote.s32 $0x1  }
0xbe: {  	_ =	sfence.sel $0xFFFF  }
0xbf: {  	[dreg:$0x0] =	wrdreg $0xFFFFFFFF;
	(pc) =	sbr.abs _section_cstart, $3  }
0xc0: {  	[dreg:$0x1] =	wrdreg $0xFFFFFFFF  }
0xc1: {  	_ =	task.clear_ibuf [dreg:s7], $0x2FFFF;
	_ =	strace $0x9FFFFFFF  }
0xc2: {  	(tm) =	ssettm $0x7FFFFFFF  }
0xc3: {  	_ =	shalt  }
tec
execute0_lowered:
.L_overlay_start_1:
0x0: {  	(tag) =	ssettag $0x1  }
0x1: {  	s1 =	rddreg [dreg:$0x0]  }
0x2: {  	s4 =	rddreg [dreg:$0x1]  }
0x3: {  	s0 =	rddreg [dreg:$0x2]  }
0x4: {  	s3 =	simm.s32 $0x0;
	s5 =	srdreg.scid;
	s2 =	stileid.u32  }
0x5: {  	s10 =	simm.s32 $0x4000;
	s11 =	simm.s32 $0x1;
	s12 =	simm.s32 $0x2  }
0x6: {  	s13 =	simm.s32 $0x80;
	s14 =	simm.s32 $0x1000;
	s15 =	simm.s32 $0x8800  }
0x7: {  	s16 =	simm.s32 $0x8A00;
	s17 =	simm.s32 $0x3;
	s18 =	simm.s32 $0x0  }
0x8: {  	[smem:$0x7FF] =	sst s3;
	s5 =	sand.u32 $0x1, s5;
	s6 =	sshll.u32 s2, $0x1  }
0x9: {  	_ =	strace $0x80000047;
	s6 =	sor.u32 s5, s6;
	s5 =	ssub.s32 $0x2, s5  }
0xa: {  	s7 =	sshll.u32 s6, $0x8;
	s6 =	sshll.u32 s6, $0x4;
	s8 =	sshrl.u32 s5, $0x1  }
0xb: {  	s7 =	sadd.s32 s7, s4;
	s9 =	sadd.s32 s6, s4;
	s8 =	ssub.s32 s5, s8  }
0xc: {  	s5 =	sadd.s32 $0x800, s1;
	s4 =	sadd.s32 $0x600, s7;
	s6 =	sadd.s32 $0x2600, s9  }
0xd: {  	s7 =	sadd.s32 $0x2E00, s9;
	s8 =	smax.u32 s8, $0x1;
	s9 =	simm.s32 $0x8000  }
.LBB2_1:
0xe: {  	[tilespmem:s9], [sflag:$0x1] =	stream.linear.gather [hbm4b:s4+s3], $0x800, $0x38;
	[tilespmem:$0x8C00] =	vst v63  }
0xf: {  	_ = 	snop  }
0x10: {  	[tilespmem:s3], [sflag:$0x2] =	stream.linear.gather [hbm4b:s1+s3], $0x4000, $0x38;
	[tilespmem:$0x8C00] =	vst v63  }
0x11: {  	_ = 	snop  }
0x12: {  	[tilespmem:s10], [sflag:$0x2] =	stream.linear.gather [hbm4b:s5+s3], $0x4000, $0x38;
	[tilespmem:$0x8C00] =	vst v63  }
0x13: {  	_ =	swait.ge [sflag:s11], $0x800  }
0x14: {  	[sflag:s11] =	ssyncset.done $0x0  }
0x15: {  	[sflag:s11] =	ssyncadd.s32 $0xFFFFF800  }
0x16: {  	_ =	swait.ge [sflag:s12], $0x4000  }
0x17: {  	[sflag:s12] =	ssyncset.done $0x0  }
0x18: {  	s19 =	simm.s32 $0x0;
	[sflag:s12] =	ssyncadd.s32 $0xFFFFC000  }
0x19: {  	v0 =	vld [tilespmem:s19+$0x8000]  }
0x1a: {  	v1 =	vld [tilespmem:s19+$0x8080]  }
0x1b: {  	v2 =	vld [tilespmem:s19+$0x8100]  }
0x1c: {  	v3 =	vld [tilespmem:s19+$0x8180]  }
0x1d: {  	v4 =	vld [tilespmem:s19+$0x8200]  }
0x1e: {  	v5 =	vld [tilespmem:s19+$0x8280]  }
0x1f: {  	v6 =	vld [tilespmem:s19+$0x8300]  }
0x20: {  	v7 =	vld [tilespmem:s19+$0x8380]  }
0x21: {  	v9 =	vld [tilespmem:s19+$0x8400]  }
0x22: {  	v8 =	vld.idx.msk [tilespmem:v0+s3+$0x0], $0xffff  }
0x23: {  	v11 =	vld [tilespmem:s19+$0x8480]  }
0x24: {  	v10 =	vld.idx.msk [tilespmem:v1+s3+$0x0], $0xffff  }
0x25: {  	v13 =	vld [tilespmem:s19+$0x8500]  }
0x26: {  	v12 =	vld.idx.msk [tilespmem:v2+s3+$0x0], $0xffff  }
0x27: {  	v15 =	vld [tilespmem:s19+$0x8580];
	v8 =	vmul.f32 v8, v9  }
0x28: {  	v14 =	vld.idx.msk [tilespmem:v3+s3+$0x0], $0xffff  }
0x29: {  	v17 =	vld [tilespmem:s19+$0x8600];
	v10 =	vmul.f32 v10, v11;
	v8 =	vadd.f32 $0.0e+00, v8  }
0x2a: {  	v16 =	vld.idx.msk [tilespmem:v4+s3+$0x0], $0xffff  }
0x2b: {  	v18 =	vld [tilespmem:s19+$0x8680];
	v28 =	vmul.f32 v12, v13;
	v8 =	vadd.f32 v10, v8  }
0x2c: {  	v29 =	vld.idx.msk [tilespmem:v5+s3+$0x0], $0xffff  }
0x2d: {  	v19 =	vld [tilespmem:s19+$0x8700];
	v30 =	vmul.f32 v14, v15;
	v8 =	vadd.f32 v28, v8  }
0x2e: {  	v31 =	vld.idx.msk [tilespmem:v6+s3+$0x0], $0xffff  }
0x2f: {  	v20 =	vld [tilespmem:s19+$0x8780];
	v32 =	vmul.f32 v16, v17;
	v8 =	vadd.f32 v30, v8  }
0x30: {  	v33 =	vld.idx.msk [tilespmem:v7+s3+$0x0], $0xffff  }
0x31: {  	v34 =	vmul.f32 v29, v18;
	v8 =	vadd.f32 v32, v8;
	_ =	sdelay $0x1  }
0x32: {  	v35 =	vmul.f32 v31, v19;
	v8 =	vadd.f32 v34, v8;
	_ =	sdelay $0x1  }
0x33: {  	v37 =	vadd.s32 $0x1000, v0;
	v36 =	vmul.f32 v33, v20;
	v8 =	vadd.f32 v35, v8;
	_ =	sdelay $0x1  }
0x34: {  	v38 =	vadd.s32 $0x1000, v1;
	v8 =	vadd.f32 v36, v8;
	_ =	sdelay $0x1  }
0x35: {  	[tilespmem:s19+$0x8800] =	vst v8;
	v8 =	vadd.s32 $0x1000, v2  }
0x36: {  	v12 =	vld.idx.msk [tilespmem:v37+s3+$0x0], $0xffff  }
0x37: {  	v39 =	vadd.s32 $0x1000, v3  }
0x38: {  	v10 =	vld.idx.msk [tilespmem:v38+s3+$0x0], $0xffff  }
0x39: {  	v40 =	vadd.s32 $0x1000, v4  }
0x3a: {  	v8 =	vld.idx.msk [tilespmem:v8+s3+$0x0], $0xffff  }
0x3b: {  	v21 =	vadd.s32 $0x1000, v5;
	v12 =	vmul.f32 v12, v9  }
0x3c: {  	v14 =	vld.idx.msk [tilespmem:v39+s3+$0x0], $0xffff  }
0x3d: {  	v22 =	vadd.s32 $0x1000, v6;
	v10 =	vmul.f32 v10, v11;
	v12 =	vadd.f32 $0.0e+00, v12  }
0x3e: {  	v16 =	vld.idx.msk [tilespmem:v40+s3+$0x0], $0xffff  }
0x3f: {  	v23 =	vadd.s32 $0x1000, v7;
	v10 =	vadd.f32 v10, v12;
	v8 =	vmul.f32 v8, v13  }
0x40: {  	v41 =	vld.idx.msk [tilespmem:v21+s3+$0x0], $0xffff  }
0x41: {  	v42 =	vmul.f32 v14, v15;
	v8 =	vadd.f32 v8, v10  }
0x42: {  	v43 =	vld.idx.msk [tilespmem:v22+s3+$0x0], $0xffff  }
0x43: {  	v44 =	vmul.f32 v16, v17;
	v8 =	vadd.f32 v42, v8  }
0x44: {  	v45 =	vld.idx.msk [tilespmem:v23+s3+$0x0], $0xffff  }
0x45: {  	v46 =	vmul.f32 v41, v18;
	v8 =	vadd.f32 v44, v8;
	_ =	sdelay $0x1  }
0x46: {  	v47 =	vmul.f32 v43, v19;
	v8 =	vadd.f32 v46, v8;
	_ =	sdelay $0x1  }
0x47: {  	v49 =	vadd.s32 $0x2000, v0;
	v48 =	vmul.f32 v45, v20;
	v8 =	vadd.f32 v47, v8;
	_ =	sdelay $0x1  }
0x48: {  	v50 =	vadd.s32 $0x2000, v1;
	v8 =	vadd.f32 v48, v8;
	_ =	sdelay $0x1  }
0x49: {  	[tilespmem:s19+$0x8880] =	vst v8;
	v8 =	vadd.s32 $0x2000, v2  }
0x4a: {  	v12 =	vld.idx.msk [tilespmem:v49+s3+$0x0], $0xffff  }
0x4b: {  	v51 =	vadd.s32 $0x2000, v3  }
0x4c: {  	v10 =	vld.idx.msk [tilespmem:v50+s3+$0x0], $0xffff  }
0x4d: {  	v52 =	vadd.s32 $0x2000, v4  }
0x4e: {  	v8 =	vld.idx.msk [tilespmem:v8+s3+$0x0], $0xffff  }
0x4f: {  	v53 =	vadd.s32 $0x2000, v5;
	v12 =	vmul.f32 v12, v9  }
0x50: {  	v14 =	vld.idx.msk [tilespmem:v51+s3+$0x0], $0xffff  }
0x51: {  	v54 =	vadd.s32 $0x2000, v6;
	v10 =	vmul.f32 v10, v11;
	v12 =	vadd.f32 $0.0e+00, v12  }
0x52: {  	v16 =	vld.idx.msk [tilespmem:v52+s3+$0x0], $0xffff  }
0x53: {  	v55 =	vadd.s32 $0x2000, v7;
	v10 =	vadd.f32 v10, v12;
	v8 =	vmul.f32 v8, v13  }
0x54: {  	v56 =	vld.idx.msk [tilespmem:v53+s3+$0x0], $0xffff  }
0x55: {  	v57 =	vmul.f32 v14, v15;
	v8 =	vadd.f32 v8, v10  }
0x56: {  	v58 =	vld.idx.msk [tilespmem:v54+s3+$0x0], $0xffff  }
0x57: {  	v59 =	vmul.f32 v16, v17;
	v8 =	vadd.f32 v57, v8  }
0x58: {  	v60 =	vld.idx.msk [tilespmem:v55+s3+$0x0], $0xffff  }
0x59: {  	v61 =	vmul.f32 v56, v18;
	v8 =	vadd.f32 v59, v8;
	_ =	sdelay $0x1  }
0x5a: {  	v62 =	vmul.f32 v58, v19;
	v8 =	vadd.f32 v61, v8;
	_ =	sdelay $0x1  }
0x5b: {  	v0 =	vadd.s32 $0x3000, v0;
	v63 =	vmul.f32 v60, v20;
	v8 =	vadd.f32 v62, v8;
	_ =	sdelay $0x1  }
0x5c: {  	v1 =	vadd.s32 $0x3000, v1;
	v8 =	vadd.f32 v63, v8;
	_ =	sdelay $0x1  }
0x5d: {  	v2 =	vadd.s32 $0x3000, v2;
	[tilespmem:s19+$0x8900] =	vst v8  }
0x5e: {  	v0 =	vld.idx.msk [tilespmem:v0+s3+$0x0], $0xffff  }
0x5f: {  	v3 =	vadd.s32 $0x3000, v3  }
0x60: {  	v1 =	vld.idx.msk [tilespmem:v1+s3+$0x0], $0xffff  }
0x61: {  	v4 =	vadd.s32 $0x3000, v4  }
0x62: {  	v2 =	vld.idx.msk [tilespmem:v2+s3+$0x0], $0xffff  }
0x63: {  	v5 =	vadd.s32 $0x3000, v5;
	v0 =	vmul.f32 v0, v9  }
0x64: {  	v3 =	vld.idx.msk [tilespmem:v3+s3+$0x0], $0xffff  }
0x65: {  	v6 =	vadd.s32 $0x3000, v6;
	v1 =	vmul.f32 v1, v11;
	v0 =	vadd.f32 $0.0e+00, v0  }
0x66: {  	v4 =	vld.idx.msk [tilespmem:v4+s3+$0x0], $0xffff  }
0x67: {  	v7 =	vadd.s32 $0x3000, v7;
	v0 =	vadd.f32 v1, v0;
	v1 =	vmul.f32 v2, v13  }
0x68: {  	v2 =	vld.idx.msk [tilespmem:v5+s3+$0x0], $0xffff  }
0x69: {  	v0 =	vadd.f32 v1, v0;
	v1 =	vmul.f32 v3, v15  }
0x6a: {  	v3 =	vld.idx.msk [tilespmem:v6+s3+$0x0], $0xffff  }
0x6b: {  	v0 =	vadd.f32 v1, v0;
	v1 =	vmul.f32 v4, v17  }
0x6c: {  	v4 =	vld.idx.msk [tilespmem:v7+s3+$0x0], $0xffff  }
0x6d: {  	s22 =	simm.s32 $0x10;
	v2 =	vmul.f32 v2, v18;
	v5 =	vadd.f32 v1, v0  }
0x6e: {  	v0 =	vld [tilespmem:s22+$0x8000]  }
0x6f: {  	v1 =	vld [tilespmem:s22+$0x8080];
	v3 =	vmul.f32 v3, v19;
	v6 =	vadd.f32 v2, v5  }
0x70: {  	v5 =	vld [tilespmem:s22+$0x8100]  }
0x71: {  	v2 =	vld [tilespmem:s22+$0x8180];
	v4 =	vmul.f32 v4, v20;
	v7 =	vadd.f32 v3, v6  }
0x72: {  	v6 =	vld [tilespmem:s22+$0x8200]  }
0x73: {  	v3 =	vld [tilespmem:s22+$0x8280];
	v7 =	vadd.f32 v4, v7  }
0x74: {  	s20 =	simm.s32 $0x80;
	v4 =	vld [tilespmem:s22+$0x8300]  }
.LBB2_2:
0x75: {  	p0 =	sne.s32 s20, $0x1C0;
	v10 =	vld [tilespmem:s22+$0x8380];
	[tilespmem:s19+$0x8980] =	vst v7;
	s21 =	smov.u32 s20;
	s20 =	sadd.s32 $0x40, s20  }
0x76: {  	s19 =	smov.u32 s22;
	v9 =	vld.idx.msk [tilespmem:v0+s3+$0x0], $0xffff  }
0x77: {  	v11 =	vld [tilespmem:s19+$0x8400]  }
0x78: {  	v12 =	vld.idx.msk [tilespmem:v1+s3+$0x0], $0xffff  }
0x79: {  	v7 =	vld [tilespmem:s19+$0x8480]  }
0x7a: {  	v13 =	vld.idx.msk [tilespmem:v5+s3+$0x0], $0xffff  }
0x7b: {  	v8 =	vld [tilespmem:s19+$0x8500]  }
0x7c: {  	v14 =	vmul.f32 v9, v11;
	v15 =	vld.idx.msk [tilespmem:v2+s3+$0x0], $0xffff  }
0x7d: {  	v9 =	vld [tilespmem:s19+$0x8580]  }
0x7e: {  	v14 =	vadd.f32 $0.0e+00, v14;
	v16 =	vmul.f32 v12, v7;
	v17 =	vld.idx.msk [tilespmem:v6+s3+$0x0], $0xffff  }
0x7f: {  	v12 =	vld [tilespmem:s19+$0x8600]  }
0x80: {  	v14 =	vadd.f32 v16, v14;
	v16 =	vmul.f32 v13, v8;
	v18 =	vld.idx.msk [tilespmem:v3+s3+$0x0], $0xffff  }
0x81: {  	v13 =	vld [tilespmem:s19+$0x8680]  }
0x82: {  	v16 =	vadd.f32 v16, v14;
	v15 =	vmul.f32 v15, v9;
	v19 =	vld.idx.msk [tilespmem:v4+s3+$0x0], $0xffff  }
0x83: {  	v14 =	vld [tilespmem:s19+$0x8700]  }
0x84: {  	v16 =	vadd.f32 v15, v16;
	v17 =	vmul.f32 v17, v12;
	v20 =	vld.idx.msk [tilespmem:v10+s3+$0x0], $0xffff  }
0x85: {  	v15 =	vld [tilespmem:s19+$0x8780]  }
0x86: {  	v16 =	vadd.f32 v17, v16;
	v17 =	vmul.f32 v18, v13;
	_ =	sdelay $0x1  }
0x87: {  	v16 =	vadd.f32 v17, v16;
	v17 =	vmul.f32 v19, v14;
	_ =	sdelay $0x1  }
0x88: {  	v18 =	vadd.s32 $0x1000, v0;
	v16 =	vadd.f32 v17, v16;
	v17 =	vmul.f32 v20, v15;
	_ =	sdelay $0x1  }
0x89: {  	v16 =	vadd.f32 v17, v16;
	v17 =	vadd.s32 $0x1000, v1;
	_ =	sdelay $0x1  }
0x8a: {  	[tilespmem:s19+$0x8800] =	vst v16;
	v16 =	vadd.s32 $0x1000, v5  }
0x8b: {  	v18 =	vld.idx.msk [tilespmem:v18+s3+$0x0], $0xffff  }
0x8c: {  	v19 =	vadd.s32 $0x1000, v2  }
0x8d: {  	v17 =	vld.idx.msk [tilespmem:v17+s3+$0x0], $0xffff  }
0x8e: {  	v20 =	vadd.s32 $0x1000, v6  }
0x8f: {  	v16 =	vld.idx.msk [tilespmem:v16+s3+$0x0], $0xffff  }
0x90: {  	v21 =	vadd.s32 $0x1000, v3  }
0x91: {  	v18 =	vmul.f32 v18, v11;
	v19 =	vld.idx.msk [tilespmem:v19+s3+$0x0], $0xffff  }
0x92: {  	v22 =	vadd.s32 $0x1000, v4  }
0x93: {  	v18 =	vadd.f32 $0.0e+00, v18;
	v17 =	vmul.f32 v17, v7;
	v20 =	vld.idx.msk [tilespmem:v20+s3+$0x0], $0xffff  }
0x94: {  	v23 =	vadd.s32 $0x1000, v10  }
0x95: {  	v17 =	vadd.f32 v17, v18;
	v16 =	vmul.f32 v16, v8;
	v18 =	vld.idx.msk [tilespmem:v21+s3+$0x0], $0xffff;
	_ =	sdelay $0x1  }
0x96: {  	v16 =	vadd.f32 v16, v17;
	v17 =	vmul.f32 v19, v9;
	v19 =	vld.idx.msk [tilespmem:v22+s3+$0x0], $0xffff;
	_ =	sdelay $0x1  }
0x97: {  	v16 =	vadd.f32 v17, v16;
	v17 =	vmul.f32 v20, v12;
	v20 =	vld.idx.msk [tilespmem:v23+s3+$0x0], $0xffff;
	_ =	sdelay $0x1  }
0x98: {  	v16 =	vadd.f32 v17, v16;
	v17 =	vmul.f32 v18, v13;
	_ =	sdelay $0x1  }
0x99: {  	v16 =	vadd.f32 v17, v16;
	v17 =	vmul.f32 v19, v14;
	_ =	sdelay $0x1  }
0x9a: {  	v18 =	vadd.s32 $0x2000, v0;
	v16 =	vadd.f32 v17, v16;
	v17 =	vmul.f32 v20, v15;
	_ =	sdelay $0x1  }
0x9b: {  	v16 =	vadd.f32 v17, v16;
	v17 =	vadd.s32 $0x2000, v1;
	_ =	sdelay $0x1  }
0x9c: {  	[tilespmem:s19+$0x8880] =	vst v16;
	v16 =	vadd.s32 $0x2000, v5  }
0x9d: {  	v18 =	vld.idx.msk [tilespmem:v18+s3+$0x0], $0xffff  }
0x9e: {  	v19 =	vadd.s32 $0x2000, v2  }
0x9f: {  	v17 =	vld.idx.msk [tilespmem:v17+s3+$0x0], $0xffff  }
0xa0: {  	v20 =	vadd.s32 $0x2000, v6  }
0xa1: {  	v16 =	vld.idx.msk [tilespmem:v16+s3+$0x0], $0xffff  }
0xa2: {  	v21 =	vadd.s32 $0x2000, v3  }
0xa3: {  	v18 =	vmul.f32 v18, v11;
	v19 =	vld.idx.msk [tilespmem:v19+s3+$0x0], $0xffff  }
0xa4: {  	v22 =	vadd.s32 $0x2000, v4  }
0xa5: {  	v18 =	vadd.f32 $0.0e+00, v18;
	v17 =	vmul.f32 v17, v7;
	v20 =	vld.idx.msk [tilespmem:v20+s3+$0x0], $0xffff  }
0xa6: {  	v23 =	vadd.s32 $0x2000, v10  }
0xa7: {  	v17 =	vadd.f32 v17, v18;
	v16 =	vmul.f32 v16, v8;
	v18 =	vld.idx.msk [tilespmem:v21+s3+$0x0], $0xffff;
	_ =	sdelay $0x1  }
0xa8: {  	v16 =	vadd.f32 v16, v17;
	v17 =	vmul.f32 v19, v9;
	v19 =	vld.idx.msk [tilespmem:v22+s3+$0x0], $0xffff;
	_ =	sdelay $0x1  }
0xa9: {  	v16 =	vadd.f32 v17, v16;
	v17 =	vmul.f32 v20, v12;
	v20 =	vld.idx.msk [tilespmem:v23+s3+$0x0], $0xffff;
	_ =	sdelay $0x1  }
0xaa: {  	v16 =	vadd.f32 v17, v16;
	v17 =	vmul.f32 v18, v13;
	_ =	sdelay $0x1  }
0xab: {  	v16 =	vadd.f32 v17, v16;
	v17 =	vmul.f32 v19, v14;
	_ =	sdelay $0x1  }
0xac: {  	v0 =	vadd.s32 $0x3000, v0;
	v16 =	vadd.f32 v17, v16;
	v17 =	vmul.f32 v20, v15  }
0xad: {  	v1 =	vadd.s32 $0x3000, v1  }
0xae: {  	v5 =	vadd.s32 $0x3000, v5;
	v16 =	vadd.f32 v17, v16  }
0xaf: {  	v2 =	vadd.s32 $0x3000, v2  }
0xb0: {  	v6 =	vadd.s32 $0x3000, v6;
	[tilespmem:s19+$0x8900] =	vst v16  }
0xb1: {  	v3 =	vadd.s32 $0x3000, v3;
	v0 =	vld.idx.msk [tilespmem:v0+s3+$0x0], $0xffff  }
0xb2: {  	v4 =	vadd.s32 $0x3000, v4;
	v1 =	vld.idx.msk [tilespmem:v1+s3+$0x0], $0xffff  }
0xb3: {  	v10 =	vadd.s32 $0x3000, v10;
	v5 =	vld.idx.msk [tilespmem:v5+s3+$0x0], $0xffff  }
0xb4: {  	v2 =	vld.idx.msk [tilespmem:v2+s3+$0x0], $0xffff  }
0xb5: {  	v6 =	vld.idx.msk [tilespmem:v6+s3+$0x0], $0xffff  }
0xb6: {  	v3 =	vld.idx.msk [tilespmem:v3+s3+$0x0], $0xffff  }
0xb7: {  	v0 =	vmul.f32 v0, v11;
	v4 =	vld.idx.msk [tilespmem:v4+s3+$0x0], $0xffff  }
0xb8: {  	v10 =	vld.idx.msk [tilespmem:v10+s3+$0x0], $0xffff  }
0xb9: {  	v1 =	vmul.f32 v1, v7;
	v0 =	vadd.f32 $0.0e+00, v0;
	_ =	sdelay $0x1  }
0xba: {  	v0 =	vadd.f32 v1, v0;
	v1 =	vmul.f32 v5, v8;
	_ =	sdelay $0x1  }
0xbb: {  	v0 =	vadd.f32 v1, v0;
	v1 =	vmul.f32 v2, v9;
	_ =	sdelay $0x1  }
0xbc: {  	v0 =	vadd.f32 v1, v0;
	v1 =	vmul.f32 v6, v12;
	_ =	sdelay $0x1  }
0xbd: {  	s22 =	sshra.s32 s21, $0x2;
	v3 =	vmul.f32 v3, v13;
	v2 =	vadd.f32 v1, v0  }
0xbe: {  	v0 =	vld [tilespmem:s22+$0x8000]  }
0xbf: {  	v4 =	vmul.f32 v4, v14;
	v3 =	vadd.f32 v3, v2;
	v1 =	vld [tilespmem:s22+$0x8080]  }
.Ltmp0:
0xc0: {  	v5 =	vld [tilespmem:s22+$0x8100];
	(pc) =	sbr.rel @p0 .LBB2_2-.Ltmp0, $4  }
0xc1: {  	v7 =	vmul.f32 v10, v15;
	v4 =	vadd.f32 v4, v3;
	v2 =	vld [tilespmem:s22+$0x8180]  }
0xc2: {  	v6 =	vld [tilespmem:s22+$0x8200]  }
0xc3: {  	v7 =	vadd.f32 v7, v4;
	v3 =	vld [tilespmem:s22+$0x8280]  }
0xc4: {  	v4 =	vld [tilespmem:s22+$0x8300]  }
0xc5: {  	_ =	sdelay $0x2  }
0xc6: {  	v8 =	vld [tilespmem:s22+$0x8380];
	[tilespmem:s19+$0x8980] =	vst v7  }
0xc7: {  	v7 =	vld.idx.msk [tilespmem:v0+s3+$0x0], $0xffff  }
0xc8: {  	v9 =	vld [tilespmem:s22+$0x8400]  }
0xc9: {  	v10 =	vld.idx.msk [tilespmem:v1+s3+$0x0], $0xffff  }
0xca: {  	v11 =	vld [tilespmem:s22+$0x8480]  }
0xcb: {  	v12 =	vld.idx.msk [tilespmem:v5+s3+$0x0], $0xffff  }
0xcc: {  	v13 =	vld [tilespmem:s22+$0x8500]  }
0xcd: {  	v14 =	vld.idx.msk [tilespmem:v2+s3+$0x0], $0xffff;
	v7 =	vmul.f32 v7, v9  }
0xce: {  	v15 =	vld [tilespmem:s22+$0x8580]  }
0xcf: {  	v17 =	vld [tilespmem:s22+$0x8600];
	v10 =	vmul.f32 v10, v11;
	v7 =	vadd.f32 $0.0e+00, v7  }
0xd0: {  	v16 =	vld.idx.msk [tilespmem:v6+s3+$0x0], $0xffff  }
0xd1: {  	v18 =	vld [tilespmem:s22+$0x8680];
	v7 =	vadd.f32 v10, v7;
	v10 =	vmul.f32 v12, v13  }
0xd2: {  	v12 =	vld.idx.msk [tilespmem:v3+s3+$0x0], $0xffff  }
0xd3: {  	v19 =	vld [tilespmem:s22+$0x8700];
	v7 =	vadd.f32 v10, v7;
	v10 =	vmul.f32 v14, v15  }
0xd4: {  	v14 =	vld.idx.msk [tilespmem:v4+s3+$0x0], $0xffff  }
0xd5: {  	v20 =	vld [tilespmem:s22+$0x8780];
	v7 =	vadd.f32 v10, v7;
	v10 =	vmul.f32 v16, v17  }
0xd6: {  	v43 =	vld.idx.msk [tilespmem:v8+s3+$0x0], $0xffff  }
0xd7: {  	v7 =	vadd.f32 v10, v7;
	v10 =	vmul.f32 v12, v18;
	_ =	sdelay $0x1  }
0xd8: {  	v7 =	vadd.f32 v10, v7;
	v10 =	vmul.f32 v14, v19;
	_ =	sdelay $0x1  }
0xd9: {  	v12 =	vadd.s32 $0x1000, v0;
	v7 =	vadd.f32 v10, v7;
	v10 =	vmul.f32 v43, v20;
	_ =	sdelay $0x1  }
0xda: {  	v7 =	vadd.f32 v10, v7;
	v10 =	vadd.s32 $0x1000, v1;
	_ =	sdelay $0x1  }
0xdb: {  	[tilespmem:s22+$0x8800] =	vst v7;
	v7 =	vadd.s32 $0x1000, v5  }
0xdc: {  	v12 =	vld.idx.msk [tilespmem:v12+s3+$0x0], $0xffff  }
0xdd: {  	v14 =	vadd.s32 $0x1000, v2  }
0xde: {  	v10 =	vld.idx.msk [tilespmem:v10+s3+$0x0], $0xffff  }
0xdf: {  	v44 =	vadd.s32 $0x1000, v6  }
0xe0: {  	v7 =	vld.idx.msk [tilespmem:v7+s3+$0x0], $0xffff  }
0xe1: {  	v21 =	vadd.s32 $0x1000, v3;
	v12 =	vmul.f32 v12, v9  }
0xe2: {  	v14 =	vld.idx.msk [tilespmem:v14+s3+$0x0], $0xffff  }
0xe3: {  	v22 =	vadd.s32 $0x1000, v4;
	v12 =	vadd.f32 $0.0e+00, v12;
	v10 =	vmul.f32 v10, v11  }
0xe4: {  	v16 =	vld.idx.msk [tilespmem:v44+s3+$0x0], $0xffff  }
0xe5: {  	v23 =	vadd.s32 $0x1000, v8;
	v10 =	vadd.f32 v10, v12;
	v7 =	vmul.f32 v7, v13  }
0xe6: {  	v12 =	vld.idx.msk [tilespmem:v21+s3+$0x0], $0xffff  }
0xe7: {  	v7 =	vadd.f32 v7, v10;
	v10 =	vmul.f32 v14, v15  }
0xe8: {  	v14 =	vld.idx.msk [tilespmem:v22+s3+$0x0], $0xffff  }
0xe9: {  	v7 =	vadd.f32 v10, v7;
	v10 =	vmul.f32 v16, v17  }
0xea: {  	v45 =	vld.idx.msk [tilespmem:v23+s3+$0x0], $0xffff  }
0xeb: {  	v7 =	vadd.f32 v10, v7;
	v10 =	vmul.f32 v12, v18;
	_ =	sdelay $0x1  }
0xec: {  	v7 =	vadd.f32 v10, v7;
	v10 =	vmul.f32 v14, v19;
	_ =	sdelay $0x1  }
0xed: {  	v12 =	vadd.s32 $0x2000, v0;
	v7 =	vadd.f32 v10, v7;
	v10 =	vmul.f32 v45, v20;
	_ =	sdelay $0x1  }
0xee: {  	v7 =	vadd.f32 v10, v7;
	v10 =	vadd.s32 $0x2000, v1;
	_ =	sdelay $0x1  }
0xef: {  	[tilespmem:s22+$0x8880] =	vst v7;
	v7 =	vadd.s32 $0x2000, v5  }
0xf0: {  	v12 =	vld.idx.msk [tilespmem:v12+s3+$0x0], $0xffff  }
0xf1: {  	v14 =	vadd.s32 $0x2000, v2  }
0xf2: {  	v10 =	vld.idx.msk [tilespmem:v10+s3+$0x0], $0xffff  }
0xf3: {  	v46 =	vadd.s32 $0x2000, v6  }
0xf4: {  	v7 =	vld.idx.msk [tilespmem:v7+s3+$0x0], $0xffff  }
0xf5: {  	v47 =	vadd.s32 $0x2000, v3;
	v12 =	vmul.f32 v12, v9  }
0xf6: {  	v14 =	vld.idx.msk [tilespmem:v14+s3+$0x0], $0xffff  }
0xf7: {  	v48 =	vadd.s32 $0x2000, v4;
	v12 =	vadd.f32 $0.0e+00, v12;
	v10 =	vmul.f32 v10, v11  }
0xf8: {  	v16 =	vld.idx.msk [tilespmem:v46+s3+$0x0], $0xffff  }
0xf9: {  	v49 =	vadd.s32 $0x2000, v8;
	v10 =	vadd.f32 v10, v12;
	v7 =	vmul.f32 v7, v13  }
0xfa: {  	v12 =	vld.idx.msk [tilespmem:v47+s3+$0x0], $0xffff  }
0xfb: {  	v7 =	vadd.f32 v7, v10;
	v10 =	vmul.f32 v14, v15  }
0xfc: {  	v14 =	vld.idx.msk [tilespmem:v48+s3+$0x0], $0xffff  }
0xfd: {  	v7 =	vadd.f32 v10, v7;
	v10 =	vmul.f32 v16, v17  }
0xfe: {  	v50 =	vld.idx.msk [tilespmem:v49+s3+$0x0], $0xffff  }
0xff: {  	v7 =	vadd.f32 v10, v7;
	v10 =	vmul.f32 v12, v18;
	_ =	sdelay $0x1  }
0x100: {  	v7 =	vadd.f32 v10, v7;
	v10 =	vmul.f32 v14, v19;
	_ =	sdelay $0x1  }
0x101: {  	v0 =	vadd.s32 $0x3000, v0;
	v7 =	vadd.f32 v10, v7;
	v10 =	vmul.f32 v50, v20;
	_ =	sdelay $0x1  }
0x102: {  	v1 =	vadd.s32 $0x3000, v1;
	v7 =	vadd.f32 v10, v7;
	_ =	sdelay $0x1  }
0x103: {  	v5 =	vadd.s32 $0x3000, v5;
	[tilespmem:s22+$0x8900] =	vst v7  }
0x104: {  	v0 =	vld.idx.msk [tilespmem:v0+s3+$0x0], $0xffff  }
0x105: {  	v2 =	vadd.s32 $0x3000, v2  }
0x106: {  	v1 =	vld.idx.msk [tilespmem:v1+s3+$0x0], $0xffff  }
0x107: {  	v6 =	vadd.s32 $0x3000, v6  }
0x108: {  	v5 =	vld.idx.msk [tilespmem:v5+s3+$0x0], $0xffff  }
0x109: {  	v3 =	vadd.s32 $0x3000, v3;
	v0 =	vmul.f32 v0, v9  }
0x10a: {  	v2 =	vld.idx.msk [tilespmem:v2+s3+$0x0], $0xffff  }
0x10b: {  	v4 =	vadd.s32 $0x3000, v4;
	v1 =	vmul.f32 v1, v11;
	v0 =	vadd.f32 $0.0e+00, v0  }
0x10c: {  	v6 =	vld.idx.msk [tilespmem:v6+s3+$0x0], $0xffff  }
0x10d: {  	v7 =	vadd.s32 $0x3000, v8;
	v0 =	vadd.f32 v1, v0;
	v1 =	vmul.f32 v5, v13  }
0x10e: {  	v3 =	vld.idx.msk [tilespmem:v3+s3+$0x0], $0xffff  }
0x10f: {  	v0 =	vadd.f32 v1, v0;
	v1 =	vmul.f32 v2, v15  }
0x110: {  	v2 =	vld.idx.msk [tilespmem:v4+s3+$0x0], $0xffff  }
0x111: {  	v0 =	vadd.f32 v1, v0;
	v1 =	vmul.f32 v6, v17  }
0x112: {  	v4 =	vld.idx.msk [tilespmem:v7+s3+$0x0], $0xffff  }
0x113: {  	v0 =	vadd.f32 v1, v0;
	v1 =	vmul.f32 v3, v18;
	_ =	sdelay $0x1  }
0x114: {  	v0 =	vadd.f32 v1, v0;
	v1 =	vmul.f32 v2, v19;
	_ =	sdelay $0x1  }
0x115: {  	v0 =	vadd.f32 v1, v0;
	v1 =	vmul.f32 v4, v20;
	_ =	sdelay $0x1  }
0x116: {  	v0 =	vadd.f32 v1, v0;
	_ =	sdelay $0x1  }
0x117: {  	[tilespmem:s22+$0x8980] =	vst v0  }
0x118: {  	[hbm4b:s6+s13] =	stream.strided.scatter [tilespmem:s15], [sflag:$0x3], $0x200, s14, s13, $0x38;
	[tilespmem:$0x8C00] =	vst v63  }
0x119: {  	_ =	swait.ge [sflag:s12], $0x4000  }
0x11a: {  	[sflag:s12] =	ssyncset.done $0x0  }
0x11b: {  	s19 =	simm.s32 $0x0;
	[sflag:s12] =	ssyncadd.s32 $0xFFFFC000  }
0x11c: {  	v0 =	vld [tilespmem:s19+$0x8000];
	_ =	sdelay $0x1  }
0x11d: {  	v1 =	vld [tilespmem:s19+$0x8080]  }
0x11e: {  	v2 =	vld [tilespmem:s19+$0x8100]  }
0x11f: {  	v3 =	vld [tilespmem:s19+$0x8180]  }
0x120: {  	v5 =	vld [tilespmem:s19+$0x8200];
	v4 =	vadd.s32 $0x4000, v0  }
0x121: {  	v6 =	vld [tilespmem:s19+$0x8280]  }
0x122: {  	v8 =	vld [tilespmem:s19+$0x8300];
	v7 =	vadd.s32 $0x4000, v1  }
0x123: {  	v9 =	vld [tilespmem:s19+$0x8380]  }
0x124: {  	v12 =	vld [tilespmem:s19+$0x8400];
	v10 =	vadd.s32 $0x4000, v2  }
0x125: {  	v4 =	vld.idx.msk [tilespmem:v4+s3+$0x0], $0xffff  }
0x126: {  	v13 =	vld [tilespmem:s19+$0x8480];
	v11 =	vadd.s32 $0x4000, v3  }
0x127: {  	v7 =	vld.idx.msk [tilespmem:v7+s3+$0x0], $0xffff  }
0x128: {  	v51 =	vld [tilespmem:s19+$0x8500];
	v14 =	vadd.s32 $0x4000, v5  }
0x129: {  	v15 =	vadd.s32 $0x4000, v6;
	v10 =	vld.idx.msk [tilespmem:v10+s3+$0x0], $0xffff  }
0x12a: {  	v53 =	vld [tilespmem:s19+$0x8580];
	v4 =	vmul.f32 v4, v12  }
0x12b: {  	v11 =	vld.idx.msk [tilespmem:v11+s3+$0x0], $0xffff  }
0x12c: {  	v55 =	vld [tilespmem:s19+$0x8600];
	v52 =	vadd.s32 $0x4000, v8;
	v7 =	vmul.f32 v7, v13;
	v4 =	vadd.f32 $0.0e+00, v4  }
0x12d: {  	v14 =	vld.idx.msk [tilespmem:v14+s3+$0x0], $0xffff  }
0x12e: {  	v54 =	vadd.s32 $0x4000, v9;
	v4 =	vadd.f32 v7, v4;
	v7 =	vmul.f32 v10, v51;
	v10 =	vld.idx.msk [tilespmem:v15+s3+$0x0], $0xffff  }
0x12f: {  	v15 =	vld [tilespmem:s19+$0x8680]  }
0x130: {  	v56 =	vld [tilespmem:s19+$0x8700];
	v4 =	vadd.f32 v7, v4;
	v7 =	vmul.f32 v11, v53  }
0x131: {  	v11 =	vld.idx.msk [tilespmem:v52+s3+$0x0], $0xffff  }
0x132: {  	v57 =	vld [tilespmem:s19+$0x8780];
	v4 =	vadd.f32 v7, v4;
	v7 =	vmul.f32 v14, v55  }
0x133: {  	v14 =	vld.idx.msk [tilespmem:v54+s3+$0x0], $0xffff  }
0x134: {  	v4 =	vadd.f32 v7, v4;
	v7 =	vmul.f32 v10, v15;
	_ =	sdelay $0x1  }
0x135: {  	v4 =	vadd.f32 v7, v4;
	v7 =	vmul.f32 v11, v56;
	_ =	sdelay $0x1  }
0x136: {  	v10 =	vadd.s32 $0x5000, v0;
	v4 =	vadd.f32 v7, v4;
	v7 =	vmul.f32 v14, v57;
	_ =	sdelay $0x1  }
0x137: {  	v4 =	vadd.f32 v7, v4;
	v7 =	vadd.s32 $0x5000, v1;
	_ =	sdelay $0x1  }
0x138: {  	[tilespmem:s19+$0x8A00] =	vst v4;
	v4 =	vadd.s32 $0x5000, v2  }
0x139: {  	v10 =	vld.idx.msk [tilespmem:v10+s3+$0x0], $0xffff  }
0x13a: {  	v11 =	vadd.s32 $0x5000, v3  }
0x13b: {  	v7 =	vld.idx.msk [tilespmem:v7+s3+$0x0], $0xffff  }
0x13c: {  	v14 =	vadd.s32 $0x5000, v5  }
0x13d: {  	v4 =	vld.idx.msk [tilespmem:v4+s3+$0x0], $0xffff  }
0x13e: {  	v58 =	vadd.s32 $0x5000, v6;
	v10 =	vmul.f32 v10, v12  }
0x13f: {  	v11 =	vld.idx.msk [tilespmem:v11+s3+$0x0], $0xffff  }
0x140: {  	v59 =	vadd.s32 $0x5000, v8;
	v10 =	vadd.f32 $0.0e+00, v10;
	v7 =	vmul.f32 v7, v13  }
0x141: {  	v14 =	vld.idx.msk [tilespmem:v14+s3+$0x0], $0xffff  }
0x142: {  	v60 =	vadd.s32 $0x5000, v9;
	v7 =	vadd.f32 v7, v10;
	v4 =	vmul.f32 v4, v51  }
0x143: {  	v10 =	vld.idx.msk [tilespmem:v58+s3+$0x0], $0xffff  }
0x144: {  	v4 =	vadd.f32 v4, v7;
	v7 =	vmul.f32 v11, v53  }
0x145: {  	v11 =	vld.idx.msk [tilespmem:v59+s3+$0x0], $0xffff  }
0x146: {  	v4 =	vadd.f32 v7, v4;
	v7 =	vmul.f32 v14, v55  }
0x147: {  	v14 =	vld.idx.msk [tilespmem:v60+s3+$0x0], $0xffff  }
0x148: {  	v4 =	vadd.f32 v7, v4;
	v7 =	vmul.f32 v10, v15;
	_ =	sdelay $0x1  }
0x149: {  	v4 =	vadd.f32 v7, v4;
	v7 =	vmul.f32 v11, v56;
	_ =	sdelay $0x1  }
0x14a: {  	v10 =	vadd.s32 $0x6000, v0;
	v4 =	vadd.f32 v7, v4;
	v7 =	vmul.f32 v14, v57;
	_ =	sdelay $0x1  }
0x14b: {  	v4 =	vadd.f32 v7, v4;
	v7 =	vadd.s32 $0x6000, v1;
	_ =	sdelay $0x1  }
0x14c: {  	[tilespmem:s19+$0x8A80] =	vst v4;
	v4 =	vadd.s32 $0x6000, v2  }
0x14d: {  	v10 =	vld.idx.msk [tilespmem:v10+s3+$0x0], $0xffff  }
0x14e: {  	v11 =	vadd.s32 $0x6000, v3  }
0x14f: {  	v7 =	vld.idx.msk [tilespmem:v7+s3+$0x0], $0xffff  }
0x150: {  	v14 =	vadd.s32 $0x6000, v5  }
0x151: {  	v4 =	vld.idx.msk [tilespmem:v4+s3+$0x0], $0xffff  }
0x152: {  	v61 =	vadd.s32 $0x6000, v6;
	v10 =	vmul.f32 v10, v12  }
0x153: {  	v11 =	vld.idx.msk [tilespmem:v11+s3+$0x0], $0xffff  }
0x154: {  	v62 =	vadd.s32 $0x6000, v8;
	v10 =	vadd.f32 $0.0e+00, v10;
	v7 =	vmul.f32 v7, v13  }
0x155: {  	v14 =	vld.idx.msk [tilespmem:v14+s3+$0x0], $0xffff  }
0x156: {  	v63 =	vadd.s32 $0x6000, v9;
	v7 =	vadd.f32 v7, v10;
	v4 =	vmul.f32 v4, v51  }
0x157: {  	v10 =	vld.idx.msk [tilespmem:v61+s3+$0x0], $0xffff  }
0x158: {  	v4 =	vadd.f32 v4, v7;
	v7 =	vmul.f32 v11, v53  }
0x159: {  	v11 =	vld.idx.msk [tilespmem:v62+s3+$0x0], $0xffff  }
0x15a: {  	v4 =	vadd.f32 v7, v4;
	v7 =	vmul.f32 v14, v55  }
0x15b: {  	v14 =	vld.idx.msk [tilespmem:v63+s3+$0x0], $0xffff  }
0x15c: {  	v4 =	vadd.f32 v7, v4;
	v7 =	vmul.f32 v10, v15;
	_ =	sdelay $0x1  }
0x15d: {  	v4 =	vadd.f32 v7, v4;
	v7 =	vmul.f32 v11, v56;
	_ =	sdelay $0x1  }
0x15e: {  	v0 =	vadd.s32 $0x7000, v0;
	v4 =	vadd.f32 v7, v4;
	v7 =	vmul.f32 v14, v57;
	_ =	sdelay $0x1  }
0x15f: {  	v1 =	vadd.s32 $0x7000, v1;
	v4 =	vadd.f32 v7, v4;
	_ =	sdelay $0x1  }
0x160: {  	v2 =	vadd.s32 $0x7000, v2;
	[tilespmem:s19+$0x8B00] =	vst v4  }
0x161: {  	v0 =	vld.idx.msk [tilespmem:v0+s3+$0x0], $0xffff  }
0x162: {  	v3 =	vadd.s32 $0x7000, v3  }
0x163: {  	v1 =	vld.idx.msk [tilespmem:v1+s3+$0x0], $0xffff  }
0x164: {  	v4 =	vadd.s32 $0x7000, v5  }
0x165: {  	v2 =	vld.idx.msk [tilespmem:v2+s3+$0x0], $0xffff  }
0x166: {  	v5 =	vadd.s32 $0x7000, v6;
	v0 =	vmul.f32 v0, v12  }
0x167: {  	v3 =	vld.idx.msk [tilespmem:v3+s3+$0x0], $0xffff  }
0x168: {  	v6 =	vadd.s32 $0x7000, v8;
	v1 =	vmul.f32 v1, v13;
	v0 =	vadd.f32 $0.0e+00, v0  }
0x169: {  	v7 =	vadd.s32 $0x7000, v9;
	v4 =	vld.idx.msk [tilespmem:v4+s3+$0x0], $0xffff  }
0x16a: {  	v0 =	vadd.f32 v1, v0;
	v1 =	vmul.f32 v2, v51  }
0x16b: {  	v5 =	vld.idx.msk [tilespmem:v5+s3+$0x0], $0xffff  }
0x16c: {  	v0 =	vadd.f32 v1, v0;
	v1 =	vmul.f32 v3, v53  }
0x16d: {  	v8 =	vld.idx.msk [tilespmem:v6+s3+$0x0], $0xffff  }
0x16e: {  	s22 =	simm.s32 $0x10;
	v7 =	vld.idx.msk [tilespmem:v7+s3+$0x0], $0xffff;
	v3 =	vmul.f32 v4, v55;
	v0 =	vadd.f32 v1, v0  }
0x16f: {  	v1 =	vld [tilespmem:s22+$0x8000]  }
0x170: {  	v6 =	vld [tilespmem:s22+$0x8100];
	v4 =	vmul.f32 v5, v15;
	v0 =	vadd.f32 v3, v0  }
0x171: {  	v2 =	vld [tilespmem:s22+$0x8080]  }
0x172: {  	v8 =	vmul.f32 v8, v56;
	v3 =	vld [tilespmem:s22+$0x8180];
	v4 =	vadd.f32 v4, v0;
	_ =	sdelay $0x1  }
0x173: {  	v12 =	vmul.f32 v7, v57;
	v0 =	vld [tilespmem:s22+$0x8280];
	v11 =	vadd.f32 v8, v4;
	v8 =	vadd.s32 $0x4000, v1  }
0x174: {  	v7 =	vld [tilespmem:s22+$0x8300]  }
0x175: {  	v9 =	vadd.s32 $0x4000, v2;
	v4 =	vld [tilespmem:s22+$0x8380];
	v12 =	vadd.f32 v12, v11  }
0x176: {  	s20 =	simm.s32 $0x80;
	v10 =	vadd.s32 $0x4000, v6;
	v5 =	vld [tilespmem:s22+$0x8200];
	v11 =	vadd.s32 $0x4000, v3  }
.LBB2_4:
0x177: {  	p0 =	sne.s32 s20, $0x1C0;
	[tilespmem:s19+$0x8B80] =	vst v12;
	s21 =	smov.u32 s20;
	s20 =	sadd.s32 $0x40, s20  }
0x178: {  	s19 =	smov.u32 s22;
	v12 =	vld.idx.msk [tilespmem:v8+s3+$0x0], $0xffff;
	v14 =	vadd.s32 $0x4000, v0  }
0x179: {  	v8 =	vld [tilespmem:s19+$0x8400];
	v15 =	vadd.s32 $0x4000, v7  }
0x17a: {  	v13 =	vld.idx.msk [tilespmem:v9+s3+$0x0], $0xffff;
	v16 =	vadd.s32 $0x4000, v4  }
0x17b: {  	v17 =	vadd.s32 $0x4000, v5;
	v9 =	vld [tilespmem:s19+$0x8480]  }
0x17c: {  	v18 =	vld.idx.msk [tilespmem:v10+s3+$0x0], $0xffff  }
0x17d: {  	v10 =	vld [tilespmem:s19+$0x8500]  }
0x17e: {  	v12 =	vmul.f32 v12, v8;
	v19 =	vld.idx.msk [tilespmem:v11+s3+$0x0], $0xffff  }
0x17f: {  	v11 =	vld [tilespmem:s19+$0x8580]  }
0x180: {  	v12 =	vadd.f32 $0.0e+00, v12;
	v20 =	vmul.f32 v13, v9;
	v17 =	vld.idx.msk [tilespmem:v17+s3+$0x0], $0xffff  }
0x181: {  	v13 =	vld [tilespmem:s19+$0x8600]  }
0x182: {  	v12 =	vadd.f32 v20, v12;
	v18 =	vmul.f32 v18, v10;
	v20 =	vld.idx.msk [tilespmem:v14+s3+$0x0], $0xffff  }
0x183: {  	v14 =	vld [tilespmem:s19+$0x8680]  }
0x184: {  	v12 =	vadd.f32 v18, v12;
	v18 =	vmul.f32 v19, v11;
	v19 =	vld.idx.msk [tilespmem:v15+s3+$0x0], $0xffff  }
0x185: {  	v15 =	vld [tilespmem:s19+$0x8700]  }
0x186: {  	v18 =	vadd.f32 v18, v12;
	v17 =	vmul.f32 v17, v13;
	v16 =	vld.idx.msk [tilespmem:v16+s3+$0x0], $0xffff  }
0x187: {  	v12 =	vld [tilespmem:s19+$0x8780]  }
0x188: {  	v17 =	vadd.f32 v17, v18;
	v18 =	vmul.f32 v20, v14;
	_ =	sdelay $0x1  }
0x189: {  	v17 =	vadd.f32 v18, v17;
	v18 =	vmul.f32 v19, v15;
	_ =	sdelay $0x1  }
0x18a: {  	v17 =	vadd.f32 v18, v17;
	v16 =	vmul.f32 v16, v12;
	v18 =	vadd.s32 $0x5000, v1;
	_ =	sdelay $0x1  }
0x18b: {  	v16 =	vadd.f32 v16, v17;
	v17 =	vadd.s32 $0x5000, v2;
	_ =	sdelay $0x1  }
0x18c: {  	[tilespmem:s19+$0x8A00] =	vst v16;
	v16 =	vadd.s32 $0x5000, v6  }
0x18d: {  	v18 =	vld.idx.msk [tilespmem:v18+s3+$0x0], $0xffff  }
0x18e: {  	v19 =	vadd.s32 $0x5000, v3  }
0x18f: {  	v17 =	vld.idx.msk [tilespmem:v17+s3+$0x0], $0xffff  }
0x190: {  	v20 =	vadd.s32 $0x5000, v5  }
0x191: {  	v16 =	vld.idx.msk [tilespmem:v16+s3+$0x0], $0xffff  }
0x192: {  	v21 =	vadd.s32 $0x5000, v0  }
0x193: {  	v18 =	vmul.f32 v18, v8;
	v19 =	vld.idx.msk [tilespmem:v19+s3+$0x0], $0xffff  }
0x194: {  	v22 =	vadd.s32 $0x5000, v7  }
0x195: {  	v18 =	vadd.f32 $0.0e+00, v18;
	v17 =	vmul.f32 v17, v9;
	v20 =	vld.idx.msk [tilespmem:v20+s3+$0x0], $0xffff  }
0x196: {  	v23 =	vadd.s32 $0x5000, v4  }
0x197: {  	v17 =	vadd.f32 v17, v18;
	v16 =	vmul.f32 v16, v10;
	v18 =	vld.idx.msk [tilespmem:v21+s3+$0x0], $0xffff;
	_ =	sdelay $0x1  }
0x198: {  	v16 =	vadd.f32 v16, v17;
	v17 =	vmul.f32 v19, v11;
	v19 =	vld.idx.msk [tilespmem:v22+s3+$0x0], $0xffff;
	_ =	sdelay $0x1  }
0x199: {  	v16 =	vadd.f32 v17, v16;
	v17 =	vmul.f32 v20, v13;
	v20 =	vld.idx.msk [tilespmem:v23+s3+$0x0], $0xffff;
	_ =	sdelay $0x1  }
0x19a: {  	v16 =	vadd.f32 v17, v16;
	v17 =	vmul.f32 v18, v14;
	_ =	sdelay $0x1  }
0x19b: {  	v16 =	vadd.f32 v17, v16;
	v17 =	vmul.f32 v19, v15;
	_ =	sdelay $0x1  }
0x19c: {  	v18 =	vadd.s32 $0x6000, v1;
	v16 =	vadd.f32 v17, v16;
	v17 =	vmul.f32 v20, v12;
	_ =	sdelay $0x1  }
0x19d: {  	v16 =	vadd.f32 v17, v16;
	v17 =	vadd.s32 $0x6000, v2;
	_ =	sdelay $0x1  }
0x19e: {  	[tilespmem:s19+$0x8A80] =	vst v16;
	v16 =	vadd.s32 $0x6000, v6  }
0x19f: {  	v18 =	vld.idx.msk [tilespmem:v18+s3+$0x0], $0xffff  }
0x1a0: {  	v19 =	vadd.s32 $0x6000, v3  }
0x1a1: {  	v17 =	vld.idx.msk [tilespmem:v17+s3+$0x0], $0xffff  }
0x1a2: {  	v20 =	vadd.s32 $0x6000, v5  }
0x1a3: {  	v16 =	vld.idx.msk [tilespmem:v16+s3+$0x0], $0xffff  }
0x1a4: {  	v21 =	vadd.s32 $0x6000, v0  }
0x1a5: {  	v18 =	vmul.f32 v18, v8;
	v19 =	vld.idx.msk [tilespmem:v19+s3+$0x0], $0xffff  }
0x1a6: {  	v22 =	vadd.s32 $0x6000, v7  }
0x1a7: {  	v18 =	vadd.f32 $0.0e+00, v18;
	v17 =	vmul.f32 v17, v9;
	v20 =	vld.idx.msk [tilespmem:v20+s3+$0x0], $0xffff  }
0x1a8: {  	v23 =	vadd.s32 $0x6000, v4  }
0x1a9: {  	v17 =	vadd.f32 v17, v18;
	v16 =	vmul.f32 v16, v10;
	v18 =	vld.idx.msk [tilespmem:v21+s3+$0x0], $0xffff;
	_ =	sdelay $0x1  }
0x1aa: {  	v16 =	vadd.f32 v16, v17;
	v17 =	vmul.f32 v19, v11;
	v19 =	vld.idx.msk [tilespmem:v22+s3+$0x0], $0xffff;
	_ =	sdelay $0x1  }
0x1ab: {  	v16 =	vadd.f32 v17, v16;
	v17 =	vmul.f32 v20, v13;
	v20 =	vld.idx.msk [tilespmem:v23+s3+$0x0], $0xffff;
	_ =	sdelay $0x1  }
0x1ac: {  	v16 =	vadd.f32 v17, v16;
	v17 =	vmul.f32 v18, v14;
	_ =	sdelay $0x1  }
0x1ad: {  	v16 =	vadd.f32 v17, v16;
	v17 =	vmul.f32 v19, v15;
	_ =	sdelay $0x1  }
0x1ae: {  	v1 =	vadd.s32 $0x7000, v1;
	v16 =	vadd.f32 v17, v16;
	v17 =	vmul.f32 v20, v12  }
0x1af: {  	v2 =	vadd.s32 $0x7000, v2  }
0x1b0: {  	v6 =	vadd.s32 $0x7000, v6;
	v16 =	vadd.f32 v17, v16  }
0x1b1: {  	v3 =	vadd.s32 $0x7000, v3  }
0x1b2: {  	v5 =	vadd.s32 $0x7000, v5;
	[tilespmem:s19+$0x8B00] =	vst v16  }
0x1b3: {  	v0 =	vadd.s32 $0x7000, v0;
	v1 =	vld.idx.msk [tilespmem:v1+s3+$0x0], $0xffff  }
0x1b4: {  	v7 =	vadd.s32 $0x7000, v7;
	v2 =	vld.idx.msk [tilespmem:v2+s3+$0x0], $0xffff  }
0x1b5: {  	v4 =	vadd.s32 $0x7000, v4;
	v6 =	vld.idx.msk [tilespmem:v6+s3+$0x0], $0xffff  }
0x1b6: {  	v3 =	vld.idx.msk [tilespmem:v3+s3+$0x0], $0xffff  }
0x1b7: {  	v5 =	vld.idx.msk [tilespmem:v5+s3+$0x0], $0xffff  }
0x1b8: {  	v0 =	vld.idx.msk [tilespmem:v0+s3+$0x0], $0xffff  }
0x1b9: {  	v1 =	vmul.f32 v1, v8;
	v7 =	vld.idx.msk [tilespmem:v7+s3+$0x0], $0xffff  }
0x1ba: {  	v4 =	vld.idx.msk [tilespmem:v4+s3+$0x0], $0xffff  }
0x1bb: {  	v2 =	vmul.f32 v2, v9;
	v1 =	vadd.f32 $0.0e+00, v1;
	_ =	sdelay $0x1  }
0x1bc: {  	v1 =	vadd.f32 v2, v1;
	v2 =	vmul.f32 v6, v10;
	_ =	sdelay $0x1  }
0x1bd: {  	v1 =	vadd.f32 v2, v1;
	v2 =	vmul.f32 v3, v11;
	_ =	sdelay $0x1  }
0x1be: {  	s22 =	sshra.s32 s21, $0x2;
	v5 =	vmul.f32 v5, v13;
	v3 =	vadd.f32 v2, v1  }
0x1bf: {  	v1 =	vld [tilespmem:s22+$0x8000]  }
0x1c0: {  	v0 =	vmul.f32 v0, v14;
	v5 =	vadd.f32 v5, v3;
	v2 =	vld [tilespmem:s22+$0x8080]  }
0x1c1: {  	v6 =	vld [tilespmem:s22+$0x8100]  }
0x1c2: {  	v7 =	vmul.f32 v7, v15;
	v9 =	vadd.f32 v0, v5;
	v3 =	vld [tilespmem:s22+$0x8180]  }
.Ltmp1:
0x1c3: {  	v5 =	vld [tilespmem:s22+$0x8200];
	(pc) =	sbr.rel @p0 .LBB2_4-.Ltmp1, $4  }
0x1c4: {  	v12 =	vmul.f32 v4, v12;
	v11 =	vadd.f32 v7, v9;
	v0 =	vld [tilespmem:s22+$0x8280];
	v8 =	vadd.s32 $0x4000, v1  }
0x1c5: {  	v7 =	vld [tilespmem:s22+$0x8300];
	v9 =	vadd.s32 $0x4000, v2  }
0x1c6: {  	v12 =	vadd.f32 v12, v11;
	v4 =	vld [tilespmem:s22+$0x8380];
	v10 =	vadd.s32 $0x4000, v6  }
0x1c7: {  	v11 =	vadd.s32 $0x4000, v3  }
0x1c8: {  	_ =	sdelay $0x2  }
0x1c9: {  	[tilespmem:s19+$0x8B80] =	vst v12  }
0x1ca: {  	v8 =	vld.idx.msk [tilespmem:v8+s3+$0x0], $0xffff  }
0x1cb: {  	v12 =	vld [tilespmem:s22+$0x8400]  }
0x1cc: {  	v9 =	vld.idx.msk [tilespmem:v9+s3+$0x0], $0xffff  }
0x1cd: {  	v13 =	vld [tilespmem:s22+$0x8480]  }
0x1ce: {  	v14 =	vadd.s32 $0x4000, v5;
	v10 =	vld.idx.msk [tilespmem:v10+s3+$0x0], $0xffff  }
0x1cf: {  	v15 =	vadd.s32 $0x4000, v0;
	v16 =	vld [tilespmem:s22+$0x8500]  }
0x1d0: {  	v11 =	vld.idx.msk [tilespmem:v11+s3+$0x0], $0xffff;
	v8 =	vmul.f32 v8, v12  }
0x1d1: {  	v18 =	vld [tilespmem:s22+$0x8580];
	v17 =	vadd.s32 $0x4000, v7  }
0x1d2: {  	v20 =	vld [tilespmem:s22+$0x8600];
	v9 =	vmul.f32 v9, v13;
	v8 =	vadd.f32 $0.0e+00, v8  }
0x1d3: {  	v19 =	vadd.s32 $0x4000, v4;
	v14 =	vld.idx.msk [tilespmem:v14+s3+$0x0], $0xffff  }
0x1d4: {  	v56 =	vmul.f32 v10, v16;
	v57 =	vld.idx.msk [tilespmem:v15+s3+$0x0], $0xffff;
	v8 =	vadd.f32 v9, v8  }
0x1d5: {  	v15 =	vld [tilespmem:s22+$0x8680]  }
0x1d6: {  	v58 =	vmul.f32 v11, v18;
	v59 =	vld.idx.msk [tilespmem:v17+s3+$0x0], $0xffff;
	v8 =	vadd.f32 v56, v8  }
0x1d7: {  	v17 =	vld [tilespmem:s22+$0x8700]  }
0x1d8: {  	v61 =	vld.idx.msk [tilespmem:v19+s3+$0x0], $0xffff;
	v60 =	vmul.f32 v14, v20;
	v8 =	vadd.f32 v58, v8  }
0x1d9: {  	v19 =	vld [tilespmem:s22+$0x8780]  }
0x1da: {  	v62 =	vmul.f32 v57, v15;
	v8 =	vadd.f32 v60, v8;
	_ =	sdelay $0x1  }
0x1db: {  	v63 =	vmul.f32 v59, v17;
	v8 =	vadd.f32 v62, v8;
	_ =	sdelay $0x1  }
0x1dc: {  	v21 =	vadd.s32 $0x5000, v1;
	v14 =	vmul.f32 v61, v19;
	v8 =	vadd.f32 v63, v8;
	_ =	sdelay $0x1  }
0x1dd: {  	v22 =	vadd.s32 $0x5000, v2;
	v8 =	vadd.f32 v14, v8;
	_ =	sdelay $0x1  }
0x1de: {  	v23 =	vadd.s32 $0x5000, v6;
	[tilespmem:s22+$0x8A00] =	vst v8  }
0x1df: {  	v10 =	vld.idx.msk [tilespmem:v21+s3+$0x0], $0xffff  }
0x1e0: {  	v24 =	vadd.s32 $0x5000, v3  }
0x1e1: {  	v9 =	vld.idx.msk [tilespmem:v22+s3+$0x0], $0xffff  }
0x1e2: {  	v25 =	vadd.s32 $0x5000, v5  }
0x1e3: {  	v8 =	vld.idx.msk [tilespmem:v23+s3+$0x0], $0xffff  }
0x1e4: {  	v21 =	vadd.s32 $0x5000, v0;
	v10 =	vmul.f32 v10, v12  }
0x1e5: {  	v11 =	vld.idx.msk [tilespmem:v24+s3+$0x0], $0xffff  }
0x1e6: {  	v22 =	vadd.s32 $0x5000, v7;
	v9 =	vmul.f32 v9, v13;
	v10 =	vadd.f32 $0.0e+00, v10  }
0x1e7: {  	v14 =	vld.idx.msk [tilespmem:v25+s3+$0x0], $0xffff  }
0x1e8: {  	v23 =	vadd.s32 $0x5000, v4;
	v8 =	vmul.f32 v8, v16;
	v9 =	vadd.f32 v9, v10  }
0x1e9: {  	v26 =	vld.idx.msk [tilespmem:v21+s3+$0x0], $0xffff  }
0x1ea: {  	v27 =	vmul.f32 v11, v18;
	v8 =	vadd.f32 v8, v9  }
0x1eb: {  	v28 =	vld.idx.msk [tilespmem:v22+s3+$0x0], $0xffff  }
0x1ec: {  	v29 =	vmul.f32 v14, v20;
	v8 =	vadd.f32 v27, v8  }
0x1ed: {  	v30 =	vld.idx.msk [tilespmem:v23+s3+$0x0], $0xffff  }
0x1ee: {  	v31 =	vmul.f32 v26, v15;
	v8 =	vadd.f32 v29, v8;
	_ =	sdelay $0x1  }
0x1ef: {  	v32 =	vmul.f32 v28, v17;
	v8 =	vadd.f32 v31, v8;
	_ =	sdelay $0x1  }
0x1f0: {  	v34 =	vadd.s32 $0x6000, v1;
	v33 =	vmul.f32 v30, v19;
	v8 =	vadd.f32 v32, v8;
	_ =	sdelay $0x1  }
0x1f1: {  	v35 =	vadd.s32 $0x6000, v2;
	v8 =	vadd.f32 v33, v8;
	_ =	sdelay $0x1  }
0x1f2: {  	v36 =	vadd.s32 $0x6000, v6;
	[tilespmem:s22+$0x8A80] =	vst v8  }
0x1f3: {  	v10 =	vld.idx.msk [tilespmem:v34+s3+$0x0], $0xffff  }
0x1f4: {  	v37 =	vadd.s32 $0x6000, v3  }
0x1f5: {  	v9 =	vld.idx.msk [tilespmem:v35+s3+$0x0], $0xffff  }
0x1f6: {  	v38 =	vadd.s32 $0x6000, v5  }
0x1f7: {  	v8 =	vld.idx.msk [tilespmem:v36+s3+$0x0], $0xffff  }
0x1f8: {  	v39 =	vadd.s32 $0x6000, v0;
	v10 =	vmul.f32 v10, v12  }
0x1f9: {  	v11 =	vld.idx.msk [tilespmem:v37+s3+$0x0], $0xffff  }
0x1fa: {  	v40 =	vadd.s32 $0x6000, v7;
	v9 =	vmul.f32 v9, v13;
	v10 =	vadd.f32 $0.0e+00, v10  }
0x1fb: {  	v14 =	vld.idx.msk [tilespmem:v38+s3+$0x0], $0xffff  }
0x1fc: {  	v41 =	vadd.s32 $0x6000, v4;
	v8 =	vmul.f32 v8, v16;
	v9 =	vadd.f32 v9, v10  }
0x1fd: {  	v42 =	vld.idx.msk [tilespmem:v39+s3+$0x0], $0xffff  }
0x1fe: {  	v43 =	vmul.f32 v11, v18;
	v8 =	vadd.f32 v8, v9  }
0x1ff: {  	v44 =	vld.idx.msk [tilespmem:v40+s3+$0x0], $0xffff  }
0x200: {  	v45 =	vmul.f32 v14, v20;
	v8 =	vadd.f32 v43, v8  }
0x201: {  	v46 =	vld.idx.msk [tilespmem:v41+s3+$0x0], $0xffff  }
0x202: {  	v47 =	vmul.f32 v42, v15;
	v8 =	vadd.f32 v45, v8;
	_ =	sdelay $0x1  }
0x203: {  	v48 =	vmul.f32 v44, v17;
	v8 =	vadd.f32 v47, v8;
	_ =	sdelay $0x1  }
0x204: {  	v50 =	vadd.s32 $0x7000, v1;
	v49 =	vmul.f32 v46, v19;
	v8 =	vadd.f32 v48, v8;
	_ =	sdelay $0x1  }
0x205: {  	v51 =	vadd.s32 $0x7000, v2;
	v8 =	vadd.f32 v49, v8;
	_ =	sdelay $0x1  }
0x206: {  	v52 =	vadd.s32 $0x7000, v6;
	[tilespmem:s22+$0x8B00] =	vst v8  }
0x207: {  	v1 =	vld.idx.msk [tilespmem:v50+s3+$0x0], $0xffff  }
0x208: {  	v53 =	vadd.s32 $0x7000, v3  }
0x209: {  	v2 =	vld.idx.msk [tilespmem:v51+s3+$0x0], $0xffff  }
0x20a: {  	v54 =	vadd.s32 $0x7000, v5  }
0x20b: {  	v6 =	vld.idx.msk [tilespmem:v52+s3+$0x0], $0xffff  }
0x20c: {  	v55 =	vadd.s32 $0x7000, v0;
	v1 =	vmul.f32 v1, v12  }
0x20d: {  	v3 =	vld.idx.msk [tilespmem:v53+s3+$0x0], $0xffff  }
0x20e: {  	v56 =	vadd.s32 $0x7000, v7;
	v2 =	vmul.f32 v2, v13;
	v1 =	vadd.f32 $0.0e+00, v1  }
0x20f: {  	v5 =	vld.idx.msk [tilespmem:v54+s3+$0x0], $0xffff  }
0x210: {  	v57 =	vadd.s32 $0x7000, v4;
	v58 =	vmul.f32 v6, v16;
	v1 =	vadd.f32 v2, v1  }
0x211: {  	v0 =	vld.idx.msk [tilespmem:v55+s3+$0x0], $0xffff  }
0x212: {  	v59 =	vmul.f32 v3, v18;
	v1 =	vadd.f32 v58, v1  }
0x213: {  	v60 =	vld.idx.msk [tilespmem:v56+s3+$0x0], $0xffff  }
0x214: {  	v61 =	vmul.f32 v5, v20;
	v1 =	vadd.f32 v59, v1  }
0x215: {  	v4 =	vld.idx.msk [tilespmem:v57+s3+$0x0], $0xffff  }
0x216: {  	v0 =	vmul.f32 v0, v15;
	v1 =	vadd.f32 v61, v1;
	_ =	sdelay $0x1  }
0x217: {  	v62 =	vmul.f32 v60, v17;
	v0 =	vadd.f32 v0, v1;
	_ =	sdelay $0x1  }
0x218: {  	v63 =	vmul.f32 v4, v19;
	v0 =	vadd.f32 v62, v0;
	_ =	sdelay $0x1  }
0x219: {  	v0 =	vadd.f32 v63, v0;
	_ =	sdelay $0x1  }
0x21a: {  	s18 =	sadd.s32 $0x1, s18;
	[tilespmem:s22+$0x8B80] =	vst v0  }
0x21b: {  	[hbm4b:s7+s13] =	stream.strided.scatter [tilespmem:s16], [sflag:$0x3], $0x200, s14, s13, $0x38;
	[tilespmem:$0x8C00] =	vst v63  }
0x21c: {  	p0 =	sne.s32 s18, s8;
	_ =	swait.ge [sflag:s17], $0x200  }
.Ltmp2:
0x21d: {  	[sflag:s17] =	ssyncset.done $0x0;
	(pc) =	sbr.rel @p0 .LBB2_1-.Ltmp2, $4  }
0x21e: {  	[sflag:s17] =	ssyncadd.s32 $0xFFFFFE00  }
0x21f: {  	_ =	swait.ge [sflag:s17], $0x200  }
0x220: {  	[sflag:s17] =	ssyncset.done $0x0  }
0x221: {  	[sflag:s17] =	ssyncadd.s32 $0xFFFFFE00  }
0x222: {  	_ =	sfence.sel $0x180000  }
0x223: {  	[bflag:$0x0] =	sbarrier.arrive $0xFFFF  }
0x224: {  	p0 =	sne.s32 s2, $0x0;
	_ =	strace $0x90000047  }
0x225: {  	s0 =	sadd.s32 @!p0 $0x100000, s0;
	[bflag:$0x2] =	sbarrier.arrive $0xFFFF  }
0x226: {  	[sflag:s0] =	ssyncadd.tile.s32 @!p0 $0x1;
	_ =	shalt  }
.Lfunc_end2:
_tile_overlayer_lowered:
.L_overlay_start_2:
0x227: {  	(tag) =	ssettag $0x2  }
0x228: {  	s0 =	rddreg [dreg:$0x0];
	s2 =	stileid.u32  }
0x229: {  	s1 =	rddreg [dreg:$0x1];
	p0 =	sne.s32 s2, $0x0  }
0x22a: {  	s3 =	rddreg [dreg:$0x2];
	[bflag:$0x3] =	sbarrier.arrive $0xFFFF;
	s2 =	simm.s32 @!p0 $0x1C04  }
0x22b: {  	[timem:s3], [sflag:s2] =	dma.local @!p0 [hbm:s0], s1  }
0x22c: {  	s0 =	simm.s32 @!p0 $0x4  }
0x22d: {  	_ =	swait.ge @!p0 [sflag:s0], s1  }
0x22e: {  	s1 =	ssub.s32 @!p0 $0x0, s1;
	[sflag:s0] =	ssyncset.done @!p0 $0x0  }
0x22f: {  	[sflag:s0] =	ssyncadd.s32 @!p0 s1  }
0x230: {  	[bflag:$0x3] =	sbarrier.arrive $0xFFFF  }
0x231: {  	_ =	shalt  }

</sc_bundles>
